<compile_context>
chip_gen: v7x
topology: tpu7x:2x2x1
jax: 0.10.2.dev20260603
libtpu: 0.0.44.dev20260713+nightly
codegen_flags: <defaults>
</compile_context>

<pallas_src>
import functools

import jax
import jax.numpy as jnp
from jax import lax
from jax.experimental import pallas as pl
from jax.experimental.pallas import tpu as pltpu
from jax.experimental.pallas import tpu_sc as plsc

_N = 10000
_E = 320000
_D = 128

_L = 16
_NC = 2
_NS = 16
_NW = _NC * _NS
_EPW = _E // _NW
_C = 80
_NP = 10240
_RPT = _NP // _NS
_ZR = 128


def _matmul_body(x_ref, w_ref, o_ref):
    o_ref[...] = jnp.dot(x_ref[...], w_ref[...],
                         preferred_element_type=jnp.float32)


def _matmul(x, w):
    bm = 1000
    return pl.pallas_call(
        _matmul_body,
        grid=(_N // bm,),
        in_specs=[
            pl.BlockSpec((bm, _D), lambda i: (i, 0)),
            pl.BlockSpec((_D, _D), lambda i: (0, 0)),
        ],
        out_specs=pl.BlockSpec((bm, _D), lambda i: (i, 0)),
        out_shape=jax.ShapeDtypeStruct((_N, _D), jnp.float32),
    )(x, w)


def _spmm_body(base_hbm, row_hbm, col_hbm, val_hbm, out_hbm,
               colv, rowv, valv, rowsv, zbuf, acc, sem):
    cid = lax.axis_index("c")
    sid = lax.axis_index("s")

    def _zrow(r, carry):
        for j in range(_D // _L):
            zbuf[r, pl.ds(j * _L, _L)] = jnp.zeros((_L,), jnp.float32)
        return carry

    lax.fori_loop(0, _ZR, _zrow, 0)
    for b in range(_RPT // _ZR):
        pltpu.sync_copy(zbuf, acc.at[pl.ds(sid * _RPT + b * _ZR, _ZR), :])
    plsc.subcore_barrier()

    ebase = (cid * _NS + sid) * _EPW

    def _chunk(t, carry):
        eb = ebase + t * _C
        pltpu.sync_copy(col_hbm.at[pl.ds(eb, _C)], colv)
        pltpu.sync_copy(row_hbm.at[pl.ds(eb, _C)], rowv)
        pltpu.sync_copy(val_hbm.at[pl.ds(eb, _C)], valv)
        pltpu.async_copy(base_hbm.at[colv], rowsv, sem).wait()

        def _scale(a, c2):
            va = valv[pl.ds(a * _L, _L)]
            for b in range(_L):
                vv = lax.gather(
                    va, jnp.full((_L, 1), b, jnp.int32),
                    lax.GatherDimensionNumbers(offset_dims=(),
                                               collapsed_slice_dims=(0,),
                                               start_index_map=(0,)),
                    (1,), mode=lax.GatherScatterMode.PROMISE_IN_BOUNDS)
                e = a * _L + b
                for j in range(_D // _L):
                    rowsv[e, pl.ds(j * _L, _L)] = (
                        rowsv[e, pl.ds(j * _L, _L)] * vv)
            return c2

        lax.fori_loop(0, _C // _L, _scale, 0)
        pltpu.sync_copy(rowsv, acc.at[rowv], add=True)
        return carry

    lax.fori_loop(0, _EPW // _C, _chunk, 0)
    plsc.subcore_barrier()

    pltpu.sync_copy(acc.at[pl.ds(sid * _RPT, _RPT), :],
                    out_hbm.at[cid, pl.ds(sid * _RPT, _RPT), :])


_spmm = functools.partial(
    pl.kernel,
    mesh=plsc.VectorSubcoreMesh(core_axis_name="c", subcore_axis_name="s"),
    out_type=jax.ShapeDtypeStruct((_NC, _NP, _D), jnp.float32),
    scratch_types=[
        pltpu.VMEM((_C,), jnp.int32),
        pltpu.VMEM((_C,), jnp.int32),
        pltpu.VMEM((_C,), jnp.float32),
        pltpu.VMEM((_C, _D), jnp.float32),
        pltpu.VMEM((_ZR, _D), jnp.float32),
        pltpu.VMEM_SHARED((_NP, _D), jnp.float32),
        pltpu.SemaphoreType.DMA,
    ],
)(_spmm_body)


def _epi_body(a0_ref, a1_ref, b_ref, g_ref, be_ref, o_ref):
    x = a0_ref[...] + a1_ref[...] + b_ref[...]
    act = jnp.where(x > 0, x, jnp.exp(jnp.minimum(x, 0.0)) - 1.0)
    mean = jnp.mean(act, axis=-1, keepdims=True)
    var = jnp.mean((act - mean) ** 2, axis=-1, keepdims=True)
    o_ref[...] = ((act - mean) * lax.rsqrt(var + 1e-5)) * g_ref[...] + be_ref[...]


def _epilogue(a0, a1, bias, gamma, beta):
    bm = 1000
    vec = pl.BlockSpec((1, _D), lambda i: (0, 0))
    blk = pl.BlockSpec((bm, _D), lambda i: (i, 0))
    return pl.pallas_call(
        _epi_body,
        grid=(_N // bm,),
        in_specs=[blk, blk, vec, vec, vec],
        out_specs=blk,
        out_shape=jax.ShapeDtypeStruct((_N, _D), jnp.float32),
    )(a0, a1, bias, gamma, beta)


def kernel(adj_indices, adj_values, features, W, bias, ln_gamma, ln_beta):
    row = adj_indices[0]
    col = adj_indices[1]
    base = _matmul(features, W)
    parts = _spmm(base, row, col, adj_values)
    return _epilogue(parts[0, :_N], parts[1, :_N], bias,
                     ln_gamma.reshape(1, _D), ln_beta.reshape(1, _D))

# --- scband reference (transcript-rebuilt; emitter-appended) ---
"""Pipeline reference for scband-bbconv-31061203485066 (READ-ONLY COPY).

The authoritative reference and input builder live on the scoring server;
editing this copy changes nothing except your own understanding.
"""

import jax, jax.numpy as jnp
import numpy as np

N = 10000
E = 320000
D_IN = 128
D_OUT = 128

def setup_inputs(seed: int = 0) -> dict:
    key = jax.random.key(seed)
    k1, k2, k3, k4, k5 = jax.random.split(key, 5)
    adj_indices = jax.random.randint(k1, (2, E), 0, N, dtype=jnp.int32)
    adj_values = jax.random.uniform(k2, (E,), dtype=jnp.float32)
    features = jax.random.normal(k3, (N, D_IN), dtype=jnp.float32)
    # xavier_uniform for weight_matrix [in, out]
    limit_w = float(np.sqrt(6.0 / (D_IN + D_OUT)))
    W = jax.random.uniform(k4, (D_IN, D_OUT), dtype=jnp.float32, minval=-limit_w, maxval=limit_w)
    # xavier_uniform for bias [1, out]
    limit_b = float(np.sqrt(6.0 / (1 + D_OUT)))
    bias = jax.random.uniform(k5, (1, D_OUT), dtype=jnp.float32, minval=-limit_b, maxval=limit_b)
    ln_gamma = jnp.ones((D_OUT,), dtype=jnp.float32)
    ln_beta = jnp.zeros((D_OUT,), dtype=jnp.float32)
    return {"adj_indices": adj_indices, "adj_values": adj_values, "features": features, "W": W, "bias": bias, "ln_gamma": ln_gamma, "ln_beta": ln_beta}


def reference(adj_indices, adj_values, features, W, bias, ln_gamma, ln_beta):
    # 2-D branch of BBConv.forward
    base = features @ W  # [N, D_OUT]
    row = adj_indices[0]
    col = adj_indices[1]
    # spmm: out[i] = sum_{e: row[e]==i} values[e] * base[col[e]]
    gathered = adj_values[:, None] * jnp.take(base, col, axis=0)
    agg = jnp.zeros((base.shape[0], base.shape[1]), dtype=base.dtype).at[row].add(gathered)
    x = agg + bias
    # ELU (alpha=1.0)
    act = jnp.where(x > 0, x, jnp.expm1(x))
    # LayerNorm over last dim, eps=1e-5
    mean = jnp.mean(act, axis=-1, keepdims=True)
    var = jnp.mean((act - mean) ** 2, axis=-1, keepdims=True)
    out = (act - mean) / jnp.sqrt(var + 1e-5) * ln_gamma + ln_beta
    return out

if __name__ == "__main__":
    import jax
    _d = setup_inputs()
    print(jax.jit(kernel)(*tuple(_d.values())))

</pallas_src>

<mosaic_0001>
#map = affine_map<(d0, d1) -> (0, 0)>
#map1 = affine_map<(d0, d1) -> (0)>
#map2 = affine_map<(d0, d1) -> (0, 0, 0)>
module attributes {stable_mosaic.version = 14 : i64} {
  func.func @_spmm_body(%arg0: i32, %arg1: i32, %arg2: memref<10000x128xf32, #tpu.memory_space<hbm>>, %arg3: memref<320000xi32, #tpu.memory_space<hbm>>, %arg4: memref<320000xi32, #tpu.memory_space<hbm>>, %arg5: memref<320000xf32, #tpu.memory_space<hbm>>, %arg6: memref<2x10240x128xf32, #tpu.memory_space<hbm>>, %arg7: memref<80xi32, #tpu.memory_space<vmem>>, %arg8: memref<80xi32, #tpu.memory_space<vmem>>, %arg9: memref<80xf32, #tpu.memory_space<vmem>>, %arg10: memref<80x128xf32, #tpu.memory_space<vmem>>, %arg11: memref<128x128xf32, #tpu.memory_space<vmem>>, %arg12: memref<10240x128xf32, #tpu.memory_space<vmem_shared>>, %arg13: memref<!tpu.dma_semaphore, #tpu.memory_space<semaphore_mem>>) attributes {dimension_semantics = [#tpu.dimension_semantics<core_parallel>, #tpu.dimension_semantics<subcore_parallel>], iteration_bounds = array<i64: 2, 16>, scalar_prefetch = 0 : i64, scratch_operands = 7 : i64, tpu.core_type = #tpu.core_type<sc_vector_subcore>, window_params = [{transform_indices = #map}, {transform_indices = #map1}, {transform_indices = #map1}, {transform_indices = #map1}, {transform_indices = #map2}]} {
    %scan3A = arith.constant 0 : i32
    %scan3A_0 = arith.constant 0 : i32
    %scan3A_1 = arith.constant 128 : i32
    %scan3A_2 = arith.addi %scan3A_0, %scan3A_1 : i32
    %scan3A_3 = arith.constant 1 : i32
    scf.for %scan3A_39 = %scan3A_0 to %scan3A_2 step %scan3A_3  : i32 {
      %broadcast_in_dim3A = arith.constant 0.000000e+00 : f32
      %broadcast_in_dim3A_40 = vector.broadcast %broadcast_in_dim3A : f32 to vector<16xf32>
      %swap3A = arith.index_cast %scan3A_39 : i32 to index
      %swap3A_41 = arith.constant 0 : index
      %swap3A_42 = tpu.vector_load %arg11[%swap3A, %swap3A_41] {strides = array<i32>} : memref<128x128xf32, #tpu.memory_space<vmem>>, vector<1x16xf32>,
      %swap3A_43 = vector.shape_cast %swap3A_42 : vector<1x16xf32> to vector<16xf32>
      %swap3A_44 = vector.shape_cast %broadcast_in_dim3A_40 : vector<16xf32> to vector<1x16xf32>
      tpu.vector_store %arg11[%swap3A, %swap3A_41], %swap3A_44 {strides = array<i32>} : memref<128x128xf32, #tpu.memory_space<vmem>>, vector<1x16xf32>,
      %broadcast_in_dim3A_45 = arith.constant 0.000000e+00 : f32
      %broadcast_in_dim3A_46 = vector.broadcast %broadcast_in_dim3A_45 : f32 to vector<16xf32>
      %swap3A_47 = arith.index_cast %scan3A_39 : i32 to index
      %swap3A_48 = arith.constant 16 : index
      %swap3A_49 = tpu.vector_load %arg11[%swap3A_47, %swap3A_48] {strides = array<i32>} : memref<128x128xf32, #tpu.memory_space<vmem>>, vector<1x16xf32>,
      %swap3A_50 = vector.shape_cast %swap3A_49 : vector<1x16xf32> to vector<16xf32>
      %swap3A_51 = vector.shape_cast %broadcast_in_dim3A_46 : vector<16xf32> to vector<1x16xf32>
      tpu.vector_store %arg11[%swap3A_47, %swap3A_48], %swap3A_51 {strides = array<i32>} : memref<128x128xf32, #tpu.memory_space<vmem>>, vector<1x16xf32>,
      %broadcast_in_dim3A_52 = arith.constant 0.000000e+00 : f32
      %broadcast_in_dim3A_53 = vector.broadcast %broadcast_in_dim3A_52 : f32 to vector<16xf32>
      %swap3A_54 = arith.index_cast %scan3A_39 : i32 to index
      %swap3A_55 = arith.constant 32 : index
      %swap3A_56 = tpu.vector_load %arg11[%swap3A_54, %swap3A_55] {strides = array<i32>} : memref<128x128xf32, #tpu.memory_space<vmem>>, vector<1x16xf32>,
      %swap3A_57 = vector.shape_cast %swap3A_56 : vector<1x16xf32> to vector<16xf32>
      %swap3A_58 = vector.shape_cast %broadcast_in_dim3A_53 : vector<16xf32> to vector<1x16xf32>
      tpu.vector_store %arg11[%swap3A_54, %swap3A_55], %swap3A_58 {strides = array<i32>} : memref<128x128xf32, #tpu.memory_space<vmem>>, vector<1x16xf32>,
      %broadcast_in_dim3A_59 = arith.constant 0.000000e+00 : f32
      %broadcast_in_dim3A_60 = vector.broadcast %broadcast_in_dim3A_59 : f32 to vector<16xf32>
      %swap3A_61 = arith.index_cast %scan3A_39 : i32 to index
      %swap3A_62 = arith.constant 48 : index
      %swap3A_63 = tpu.vector_load %arg11[%swap3A_61, %swap3A_62] {strides = array<i32>} : memref<128x128xf32, #tpu.memory_space<vmem>>, vector<1x16xf32>,
      %swap3A_64 = vector.shape_cast %swap3A_63 : vector<1x16xf32> to vector<16xf32>
      %swap3A_65 = vector.shape_cast %broadcast_in_dim3A_60 : vector<16xf32> to vector<1x16xf32>
      tpu.vector_store %arg11[%swap3A_61, %swap3A_62], %swap3A_65 {strides = array<i32>} : memref<128x128xf32, #tpu.memory_space<vmem>>, vector<1x16xf32>,
      %broadcast_in_dim3A_66 = arith.constant 0.000000e+00 : f32
      %broadcast_in_dim3A_67 = vector.broadcast %broadcast_in_dim3A_66 : f32 to vector<16xf32>
      %swap3A_68 = arith.index_cast %scan3A_39 : i32 to index
      %swap3A_69 = arith.constant 64 : index
      %swap3A_70 = tpu.vector_load %arg11[%swap3A_68, %swap3A_69] {strides = array<i32>} : memref<128x128xf32, #tpu.memory_space<vmem>>, vector<1x16xf32>,
      %swap3A_71 = vector.shape_cast %swap3A_70 : vector<1x16xf32> to vector<16xf32>
      %swap3A_72 = vector.shape_cast %broadcast_in_dim3A_67 : vector<16xf32> to vector<1x16xf32>
      tpu.vector_store %arg11[%swap3A_68, %swap3A_69], %swap3A_72 {strides = array<i32>} : memref<128x128xf32, #tpu.memory_space<vmem>>, vector<1x16xf32>,
      %broadcast_in_dim3A_73 = arith.constant 0.000000e+00 : f32
      %broadcast_in_dim3A_74 = vector.broadcast %broadcast_in_dim3A_73 : f32 to vector<16xf32>
      %swap3A_75 = arith.index_cast %scan3A_39 : i32 to index
      %swap3A_76 = arith.constant 80 : index
      %swap3A_77 = tpu.vector_load %arg11[%swap3A_75, %swap3A_76] {strides = array<i32>} : memref<128x128xf32, #tpu.memory_space<vmem>>, vector<1x16xf32>,
      %swap3A_78 = vector.shape_cast %swap3A_77 : vector<1x16xf32> to vector<16xf32>
      %swap3A_79 = vector.shape_cast %broadcast_in_dim3A_74 : vector<16xf32> to vector<1x16xf32>
      tpu.vector_store %arg11[%swap3A_75, %swap3A_76], %swap3A_79 {strides = array<i32>} : memref<128x128xf32, #tpu.memory_space<vmem>>, vector<1x16xf32>,
      %broadcast_in_dim3A_80 = arith.constant 0.000000e+00 : f32
      %broadcast_in_dim3A_81 = vector.broadcast %broadcast_in_dim3A_80 : f32 to vector<16xf32>
      %swap3A_82 = arith.index_cast %scan3A_39 : i32 to index
      %swap3A_83 = arith.constant 96 : index
      %swap3A_84 = tpu.vector_load %arg11[%swap3A_82, %swap3A_83] {strides = array<i32>} : memref<128x128xf32, #tpu.memory_space<vmem>>, vector<1x16xf32>,
      %swap3A_85 = vector.shape_cast %swap3A_84 : vector<1x16xf32> to vector<16xf32>
      %swap3A_86 = vector.shape_cast %broadcast_in_dim3A_81 : vector<16xf32> to vector<1x16xf32>
      tpu.vector_store %arg11[%swap3A_82, %swap3A_83], %swap3A_86 {strides = array<i32>} : memref<128x128xf32, #tpu.memory_space<vmem>>, vector<1x16xf32>,
      %broadcast_in_dim3A_87 = arith.constant 0.000000e+00 : f32
      %broadcast_in_dim3A_88 = vector.broadcast %broadcast_in_dim3A_87 : f32 to vector<16xf32>
      %swap3A_89 = arith.index_cast %scan3A_39 : i32 to index
      %swap3A_90 = arith.constant 112 : index
      %swap3A_91 = tpu.vector_load %arg11[%swap3A_89, %swap3A_90] {strides = array<i32>} : memref<128x128xf32, #tpu.memory_space<vmem>>, vector<1x16xf32>,
      %swap3A_92 = vector.shape_cast %swap3A_91 : vector<1x16xf32> to vector<16xf32>
      %swap3A_93 = vector.shape_cast %broadcast_in_dim3A_88 : vector<16xf32> to vector<1x16xf32>
      tpu.vector_store %arg11[%swap3A_89, %swap3A_90], %swap3A_93 {strides = array<i32>} : memref<128x128xf32, #tpu.memory_space<vmem>>, vector<1x16xf32>,
    }
    %scan3A_4 = arith.constant 128 : i32
    %mul3A = arith.constant 640 : i32
    %mul3A_5 = arith.muli %arg1, %mul3A : i32
    %add3A = arith.constant 0 : i32
    %add3A_6 = arith.addi %mul3A_5, %add3A : i32
    "tpu.region"() ({
      %run_scoped3A = tpu.sem_alloc : memref<!tpu.dma_semaphore, #tpu.memory_space<semaphore_mem>>
      %dma_start3A = arith.constant 0 : i32
      %dma_start3A_39 = tpu.memref_slice %arg12[%add3A_6, %dma_start3A] : memref<10240x128xf32, #tpu.memory_space<vmem_shared>> -> memref<128x128xf32, #tpu.memory_space<vmem_shared>>
      %dma_start3A_40 = arith.constant 0 : i32
      %dma_start3A_41 = tpu.memref_slice %arg12[%add3A_6, %dma_start3A_40] : memref<10240x128xf32, #tpu.memory_space<vmem_shared>> -> memref<128x128xf32, #tpu.memory_space<vmem_shared>>
      tpu.enqueue_dma source(%arg11 : memref<128x128xf32, #tpu.memory_space<vmem>>) target(%dma_start3A_41 : memref<128x128xf32, #tpu.memory_space<vmem_shared>>) target_semaphore(%run_scoped3A : memref<!tpu.dma_semaphore, #tpu.memory_space<semaphore_mem>>)
      %dma_wait3A = arith.constant 0 : i32
      %dma_wait3A_42 = tpu.memref_slice %arg12[%add3A_6, %dma_wait3A] : memref<10240x128xf32, #tpu.memory_space<vmem_shared>> -> memref<128x128xf32, #tpu.memory_space<vmem_shared>>
      %dma_wait3A_43 = arith.constant 0 : i32
      %dma_wait3A_44 = tpu.memref_slice %arg12[%add3A_6, %dma_wait3A_43] : memref<10240x128xf32, #tpu.memory_space<vmem_shared>> -> memref<128x128xf32, #tpu.memory_space<vmem_shared>>
      tpu.wait_dma2 semaphore(%run_scoped3A : memref<!tpu.dma_semaphore, #tpu.memory_space<semaphore_mem>>) src(%arg11 : memref<128x128xf32, #tpu.memory_space<vmem>>) dst(%dma_wait3A_44 : memref<128x128xf32, #tpu.memory_space<vmem_shared>>)
      tpu.yield
    }) : () -> ()
    %mul3A_7 = arith.constant 640 : i32
    %mul3A_8 = arith.muli %arg1, %mul3A_7 : i32
    %add3A_9 = arith.constant 128 : i32
    %add3A_10 = arith.addi %mul3A_8, %add3A_9 : i32
    "tpu.region"() ({
      %run_scoped3A = tpu.sem_alloc : memref<!tpu.dma_semaphore, #tpu.memory_space<semaphore_mem>>
      %dma_start3A = arith.constant 0 : i32
      %dma_start3A_39 = tpu.memref_slice %arg12[%add3A_10, %dma_start3A] : memref<10240x128xf32, #tpu.memory_space<vmem_shared>> -> memref<128x128xf32, #tpu.memory_space<vmem_shared>>
      %dma_start3A_40 = arith.constant 0 : i32
      %dma_start3A_41 = tpu.memref_slice %arg12[%add3A_10, %dma_start3A_40] : memref<10240x128xf32, #tpu.memory_space<vmem_shared>> -> memref<128x128xf32, #tpu.memory_space<vmem_shared>>
      tpu.enqueue_dma source(%arg11 : memref<128x128xf32, #tpu.memory_space<vmem>>) target(%dma_start3A_41 : memref<128x128xf32, #tpu.memory_space<vmem_shared>>) target_semaphore(%run_scoped3A : memref<!tpu.dma_semaphore, #tpu.memory_space<semaphore_mem>>)
      %dma_wait3A = arith.constant 0 : i32
      %dma_wait3A_42 = tpu.memref_slice %arg12[%add3A_10, %dma_wait3A] : memref<10240x128xf32, #tpu.memory_space<vmem_shared>> -> memref<128x128xf32, #tpu.memory_space<vmem_shared>>
      %dma_wait3A_43 = arith.constant 0 : i32
      %dma_wait3A_44 = tpu.memref_slice %arg12[%add3A_10, %dma_wait3A_43] : memref<10240x128xf32, #tpu.memory_space<vmem_shared>> -> memref<128x128xf32, #tpu.memory_space<vmem_shared>>
      tpu.wait_dma2 semaphore(%run_scoped3A : memref<!tpu.dma_semaphore, #tpu.memory_space<semaphore_mem>>) src(%arg11 : memref<128x128xf32, #tpu.memory_space<vmem>>) dst(%dma_wait3A_44 : memref<128x128xf32, #tpu.memory_space<vmem_shared>>)
      tpu.yield
    }) : () -> ()
    %mul3A_11 = arith.constant 640 : i32
    %mul3A_12 = arith.muli %arg1, %mul3A_11 : i32
    %add3A_13 = arith.constant 256 : i32
    %add3A_14 = arith.addi %mul3A_12, %add3A_13 : i32
    "tpu.region"() ({
      %run_scoped3A = tpu.sem_alloc : memref<!tpu.dma_semaphore, #tpu.memory_space<semaphore_mem>>
      %dma_start3A = arith.constant 0 : i32
      %dma_start3A_39 = tpu.memref_slice %arg12[%add3A_14, %dma_start3A] : memref<10240x128xf32, #tpu.memory_space<vmem_shared>> -> memref<128x128xf32, #tpu.memory_space<vmem_shared>>
      %dma_start3A_40 = arith.constant 0 : i32
      %dma_start3A_41 = tpu.memref_slice %arg12[%add3A_14, %dma_start3A_40] : memref<10240x128xf32, #tpu.memory_space<vmem_shared>> -> memref<128x128xf32, #tpu.memory_space<vmem_shared>>
      tpu.enqueue_dma source(%arg11 : memref<128x128xf32, #tpu.memory_space<vmem>>) target(%dma_start3A_41 : memref<128x128xf32, #tpu.memory_space<vmem_shared>>) target_semaphore(%run_scoped3A : memref<!tpu.dma_semaphore, #tpu.memory_space<semaphore_mem>>)
      %dma_wait3A = arith.constant 0 : i32
      %dma_wait3A_42 = tpu.memref_slice %arg12[%add3A_14, %dma_wait3A] : memref<10240x128xf32, #tpu.memory_space<vmem_shared>> -> memref<128x128xf32, #tpu.memory_space<vmem_shared>>
      %dma_wait3A_43 = arith.constant 0 : i32
      %dma_wait3A_44 = tpu.memref_slice %arg12[%add3A_14, %dma_wait3A_43] : memref<10240x128xf32, #tpu.memory_space<vmem_shared>> -> memref<128x128xf32, #tpu.memory_space<vmem_shared>>
      tpu.wait_dma2 semaphore(%run_scoped3A : memref<!tpu.dma_semaphore, #tpu.memory_space<semaphore_mem>>) src(%arg11 : memref<128x128xf32, #tpu.memory_space<vmem>>) dst(%dma_wait3A_44 : memref<128x128xf32, #tpu.memory_space<vmem_shared>>)
      tpu.yield
    }) : () -> ()
    %mul3A_15 = arith.constant 640 : i32
    %mul3A_16 = arith.muli %arg1, %mul3A_15 : i32
    %add3A_17 = arith.constant 384 : i32
    %add3A_18 = arith.addi %mul3A_16, %add3A_17 : i32
    "tpu.region"() ({
      %run_scoped3A = tpu.sem_alloc : memref<!tpu.dma_semaphore, #tpu.memory_space<semaphore_mem>>
      %dma_start3A = arith.constant 0 : i32
      %dma_start3A_39 = tpu.memref_slice %arg12[%add3A_18, %dma_start3A] : memref<10240x128xf32, #tpu.memory_space<vmem_shared>> -> memref<128x128xf32, #tpu.memory_space<vmem_shared>>
      %dma_start3A_40 = arith.constant 0 : i32
      %dma_start3A_41 = tpu.memref_slice %arg12[%add3A_18, %dma_start3A_40] : memref<10240x128xf32, #tpu.memory_space<vmem_shared>> -> memref<128x128xf32, #tpu.memory_space<vmem_shared>>
      tpu.enqueue_dma source(%arg11 : memref<128x128xf32, #tpu.memory_space<vmem>>) target(%dma_start3A_41 : memref<128x128xf32, #tpu.memory_space<vmem_shared>>) target_semaphore(%run_scoped3A : memref<!tpu.dma_semaphore, #tpu.memory_space<semaphore_mem>>)
      %dma_wait3A = arith.constant 0 : i32
      %dma_wait3A_42 = tpu.memref_slice %arg12[%add3A_18, %dma_wait3A] : memref<10240x128xf32, #tpu.memory_space<vmem_shared>> -> memref<128x128xf32, #tpu.memory_space<vmem_shared>>
      %dma_wait3A_43 = arith.constant 0 : i32
      %dma_wait3A_44 = tpu.memref_slice %arg12[%add3A_18, %dma_wait3A_43] : memref<10240x128xf32, #tpu.memory_space<vmem_shared>> -> memref<128x128xf32, #tpu.memory_space<vmem_shared>>
      tpu.wait_dma2 semaphore(%run_scoped3A : memref<!tpu.dma_semaphore, #tpu.memory_space<semaphore_mem>>) src(%arg11 : memref<128x128xf32, #tpu.memory_space<vmem>>) dst(%dma_wait3A_44 : memref<128x128xf32, #tpu.memory_space<vmem_shared>>)
      tpu.yield
    }) : () -> ()
    %mul3A_19 = arith.constant 640 : i32
    %mul3A_20 = arith.muli %arg1, %mul3A_19 : i32
    %add3A_21 = arith.constant 512 : i32
    %add3A_22 = arith.addi %mul3A_20, %add3A_21 : i32
    "tpu.region"() ({
      %run_scoped3A = tpu.sem_alloc : memref<!tpu.dma_semaphore, #tpu.memory_space<semaphore_mem>>
      %dma_start3A = arith.constant 0 : i32
      %dma_start3A_39 = tpu.memref_slice %arg12[%add3A_22, %dma_start3A] : memref<10240x128xf32, #tpu.memory_space<vmem_shared>> -> memref<128x128xf32, #tpu.memory_space<vmem_shared>>
      %dma_start3A_40 = arith.constant 0 : i32
      %dma_start3A_41 = tpu.memref_slice %arg12[%add3A_22, %dma_start3A_40] : memref<10240x128xf32, #tpu.memory_space<vmem_shared>> -> memref<128x128xf32, #tpu.memory_space<vmem_shared>>
      tpu.enqueue_dma source(%arg11 : memref<128x128xf32, #tpu.memory_space<vmem>>) target(%dma_start3A_41 : memref<128x128xf32, #tpu.memory_space<vmem_shared>>) target_semaphore(%run_scoped3A : memref<!tpu.dma_semaphore, #tpu.memory_space<semaphore_mem>>)
      %dma_wait3A = arith.constant 0 : i32
      %dma_wait3A_42 = tpu.memref_slice %arg12[%add3A_22, %dma_wait3A] : memref<10240x128xf32, #tpu.memory_space<vmem_shared>> -> memref<128x128xf32, #tpu.memory_space<vmem_shared>>
      %dma_wait3A_43 = arith.constant 0 : i32
      %dma_wait3A_44 = tpu.memref_slice %arg12[%add3A_22, %dma_wait3A_43] : memref<10240x128xf32, #tpu.memory_space<vmem_shared>> -> memref<128x128xf32, #tpu.memory_space<vmem_shared>>
      tpu.wait_dma2 semaphore(%run_scoped3A : memref<!tpu.dma_semaphore, #tpu.memory_space<semaphore_mem>>) src(%arg11 : memref<128x128xf32, #tpu.memory_space<vmem>>) dst(%dma_wait3A_44 : memref<128x128xf32, #tpu.memory_space<vmem_shared>>)
      tpu.yield
    }) : () -> ()
    %barrier3A = arith.constant 0 : index
    tpu.barrier barrier_id(%barrier3A)
    %mul3A_23 = arith.constant 16 : i32
    %mul3A_24 = arith.muli %arg0, %mul3A_23 : i32
    %add3A_25 = arith.addi %mul3A_24, %arg1 : i32
    %mul3A_26 = arith.constant 10000 : i32
    %mul3A_27 = arith.muli %add3A_25, %mul3A_26 : i32
    %scan3A_28 = arith.constant 0 : i32
    %scan3A_29 = arith.constant 0 : i32
    %scan3A_30 = arith.constant 125 : i32
    %scan3A_31 = arith.addi %scan3A_29, %scan3A_30 : i32
    %scan3A_32 = arith.constant 1 : i32
    scf.for %scan3A_39 = %scan3A_29 to %scan3A_31 step %scan3A_32  : i32 {
      %mul3A_40 = arith.constant 80 : i32
      %mul3A_41 = arith.muli %scan3A_39, %mul3A_40 : i32
      %add3A_42 = arith.addi %mul3A_27, %mul3A_41 : i32
      "tpu.region"() ({
        %run_scoped3A = tpu.sem_alloc : memref<!tpu.dma_semaphore, #tpu.memory_space<semaphore_mem>>
        %dma_start3A_53 = tpu.memref_slice %arg4[%add3A_42] : memref<320000xi32, #tpu.memory_space<hbm>> -> memref<80xi32, #tpu.memory_space<hbm>>
        %dma_start3A_54 = tpu.memref_slice %arg4[%add3A_42] : memref<320000xi32, #tpu.memory_space<hbm>> -> memref<80xi32, #tpu.memory_space<hbm>>
        tpu.enqueue_dma source(%dma_start3A_54 : memref<80xi32, #tpu.memory_space<hbm>>) target(%arg7 : memref<80xi32, #tpu.memory_space<vmem>>) target_semaphore(%run_scoped3A : memref<!tpu.dma_semaphore, #tpu.memory_space<semaphore_mem>>)
        %dma_wait3A_55 = tpu.memref_slice %arg4[%add3A_42] : memref<320000xi32, #tpu.memory_space<hbm>> -> memref<80xi32, #tpu.memory_space<hbm>>
        %dma_wait3A_56 = tpu.memref_slice %arg4[%add3A_42] : memref<320000xi32, #tpu.memory_space<hbm>> -> memref<80xi32, #tpu.memory_space<hbm>>
        tpu.wait_dma2 semaphore(%run_scoped3A : memref<!tpu.dma_semaphore, #tpu.memory_space<semaphore_mem>>) src(%dma_wait3A_56 : memref<80xi32, #tpu.memory_space<hbm>>) dst(%arg7 : memref<80xi32, #tpu.memory_space<vmem>>)
        tpu.yield
      }) : () -> ()
      "tpu.region"() ({
        %run_scoped3A = tpu.sem_alloc : memref<!tpu.dma_semaphore, #tpu.memory_space<semaphore_mem>>
        %dma_start3A_53 = tpu.memref_slice %arg3[%add3A_42] : memref<320000xi32, #tpu.memory_space<hbm>> -> memref<80xi32, #tpu.memory_space<hbm>>
        %dma_start3A_54 = tpu.memref_slice %arg3[%add3A_42] : memref<320000xi32, #tpu.memory_space<hbm>> -> memref<80xi32, #tpu.memory_space<hbm>>
        tpu.enqueue_dma source(%dma_start3A_54 : memref<80xi32, #tpu.memory_space<hbm>>) target(%arg8 : memref<80xi32, #tpu.memory_space<vmem>>) target_semaphore(%run_scoped3A : memref<!tpu.dma_semaphore, #tpu.memory_space<semaphore_mem>>)
        %dma_wait3A_55 = tpu.memref_slice %arg3[%add3A_42] : memref<320000xi32, #tpu.memory_space<hbm>> -> memref<80xi32, #tpu.memory_space<hbm>>
        %dma_wait3A_56 = tpu.memref_slice %arg3[%add3A_42] : memref<320000xi32, #tpu.memory_space<hbm>> -> memref<80xi32, #tpu.memory_space<hbm>>
        tpu.wait_dma2 semaphore(%run_scoped3A : memref<!tpu.dma_semaphore, #tpu.memory_space<semaphore_mem>>) src(%dma_wait3A_56 : memref<80xi32, #tpu.memory_space<hbm>>) dst(%arg8 : memref<80xi32, #tpu.memory_space<vmem>>)
        tpu.yield
      }) : () -> ()
      "tpu.region"() ({
        %run_scoped3A = tpu.sem_alloc : memref<!tpu.dma_semaphore, #tpu.memory_space<semaphore_mem>>
        %dma_start3A_53 = tpu.memref_slice %arg5[%add3A_42] : memref<320000xf32, #tpu.memory_space<hbm>> -> memref<80xf32, #tpu.memory_space<hbm>>
        %dma_start3A_54 = tpu.memref_slice %arg5[%add3A_42] : memref<320000xf32, #tpu.memory_space<hbm>> -> memref<80xf32, #tpu.memory_space<hbm>>
        tpu.enqueue_dma source(%dma_start3A_54 : memref<80xf32, #tpu.memory_space<hbm>>) target(%arg9 : memref<80xf32, #tpu.memory_space<vmem>>) target_semaphore(%run_scoped3A : memref<!tpu.dma_semaphore, #tpu.memory_space<semaphore_mem>>)
        %dma_wait3A_55 = tpu.memref_slice %arg5[%add3A_42] : memref<320000xf32, #tpu.memory_space<hbm>> -> memref<80xf32, #tpu.memory_space<hbm>>
        %dma_wait3A_56 = tpu.memref_slice %arg5[%add3A_42] : memref<320000xf32, #tpu.memory_space<hbm>> -> memref<80xf32, #tpu.memory_space<hbm>>
        tpu.wait_dma2 semaphore(%run_scoped3A : memref<!tpu.dma_semaphore, #tpu.memory_space<semaphore_mem>>) src(%dma_wait3A_56 : memref<80xf32, #tpu.memory_space<hbm>>) dst(%arg9 : memref<80xf32, #tpu.memory_space<vmem>>)
        tpu.yield
      }) : () -> ()
      %dma_start3A = arith.constant 0 : i32
      %dma_start3A_43 = arith.constant 0 : i32
      %dma_start3A_44 = tpu.memref_slice %arg2[%dma_start3A, %dma_start3A_43] : memref<10000x128xf32, #tpu.memory_space<hbm>> -> memref<10000x128xf32, #tpu.memory_space<hbm>>
      tpu.enqueue_indirect_dma source(%dma_start3A_44 : memref<10000x128xf32, #tpu.memory_space<hbm>>) target(%arg10 : memref<80x128xf32, #tpu.memory_space<vmem>>) offsets(%arg7 : memref<80xi32, #tpu.memory_space<vmem>>) semaphore(%arg13 : memref<!tpu.dma_semaphore, #tpu.memory_space<semaphore_mem>>)
      %dma_wait3A = arith.constant 0 : i32
      %dma_wait3A_45 = arith.constant 0 : i32
      %dma_wait3A_46 = tpu.memref_slice %arg2[%dma_wait3A, %dma_wait3A_45] : memref<10000x128xf32, #tpu.memory_space<hbm>> -> memref<10000x128xf32, #tpu.memory_space<hbm>>
      tpu.wait_indirect_dma semaphore(%arg13 : memref<!tpu.dma_semaphore, #tpu.memory_space<semaphore_mem>>) src(%dma_wait3A_46 : memref<10000x128xf32, #tpu.memory_space<hbm>>) dst(%arg10 : memref<80x128xf32, #tpu.memory_space<vmem>>)
      %scan3A_47 = arith.constant 0 : i32
      %scan3A_48 = arith.constant 0 : i32
      %scan3A_49 = arith.constant 5 : i32
      %scan3A_50 = arith.addi %scan3A_48, %scan3A_49 : i32
      %scan3A_51 = arith.constant 1 : i32
      scf.for %scan3A_53 = %scan3A_48 to %scan3A_50 step %scan3A_51  : i32 {
        %mul3A_54 = arith.constant 16 : i32
        %mul3A_55 = arith.muli %scan3A_53, %mul3A_54 : i32
        %get3A = arith.index_cast %mul3A_55 : i32 to index
        %get3A_56 = tpu.vector_load %arg9[%get3A] {strides = array<i32>} : memref<80xf32, #tpu.memory_space<vmem>>, vector<16xf32>,
        %get3A_57 = vector.shape_cast %get3A_56 : vector<16xf32> to vector<16xf32>
        %broadcast_in_dim3A = arith.constant 0 : i32
        %broadcast_in_dim3A_58 = vector.broadcast %broadcast_in_dim3A : i32 to vector<16x1xi32>
        %gather3A = vector.shape_cast %broadcast_in_dim3A_58 : vector<16x1xi32> to vector<16xi32>
        %gather3A_59 = tpu.dynamic_gather %get3A_57[%gather3A] in [0] : vector<16xf32>, vector<16xi32> -> vector<16xf32>
        %mul3A_60 = arith.constant 16 : i32
        %mul3A_61 = arith.muli %scan3A_53, %mul3A_60 : i32
        %add3A_62 = arith.constant 0 : i32
        %add3A_63 = arith.addi %mul3A_61, %add3A_62 : i32
        %get3A_64 = arith.index_cast %add3A_63 : i32 to index
        %get3A_65 = arith.constant 0 : index
        %get3A_66 = tpu.vector_load %arg10[%get3A_64, %get3A_65] {strides = array<i32>} : memref<80x128xf32, #tpu.memory_space<vmem>>, vector<1x16xf32>,
        %get3A_67 = vector.shape_cast %get3A_66 : vector<1x16xf32> to vector<16xf32>
        %mul3A_68 = arith.mulf %get3A_67, %gather3A_59 : vector<16xf32>
        %swap3A = arith.index_cast %add3A_63 : i32 to index
        %swap3A_69 = arith.constant 0 : index
        %swap3A_70 = tpu.vector_load %arg10[%swap3A, %swap3A_69] {strides = array<i32>} : memref<80x128xf32, #tpu.memory_space<vmem>>, vector<1x16xf32>,
        %swap3A_71 = vector.shape_cast %swap3A_70 : vector<1x16xf32> to vector<16xf32>
        %swap3A_72 = vector.shape_cast %mul3A_68 : vector<16xf32> to vector<1x16xf32>
        tpu.vector_store %arg10[%swap3A, %swap3A_69], %swap3A_72 {strides = array<i32>} : memref<80x128xf32, #tpu.memory_space<vmem>>, vector<1x16xf32>,
        %get3A_73 = arith.index_cast %add3A_63 : i32 to index
        %get3A_74 = arith.constant 16 : index
        %get3A_75 = tpu.vector_load %arg10[%get3A_73, %get3A_74] {strides = array<i32>} : memref<80x128xf32, #tpu.memory_space<vmem>>, vector<1x16xf32>,
        %get3A_76 = vector.shape_cast %get3A_75 : vector<1x16xf32> to vector<16xf32>
        %mul3A_77 = arith.mulf %get3A_76, %gather3A_59 : vector<16xf32>
        %swap3A_78 = arith.index_cast %add3A_63 : i32 to index
        %swap3A_79 = arith.constant 16 : index
        %swap3A_80 = tpu.vector_load %arg10[%swap3A_78, %swap3A_79] {strides = array<i32>} : memref<80x128xf32, #tpu.memory_space<vmem>>, vector<1x16xf32>,
        %swap3A_81 = vector.shape_cast %swap3A_80 : vector<1x16xf32> to vector<16xf32>
        %swap3A_82 = vector.shape_cast %mul3A_77 : vector<16xf32> to vector<1x16xf32>
        tpu.vector_store %arg10[%swap3A_78, %swap3A_79], %swap3A_82 {strides = array<i32>} : memref<80x128xf32, #tpu.memory_space<vmem>>, vector<1x16xf32>,
        %get3A_83 = arith.index_cast %add3A_63 : i32 to index
        %get3A_84 = arith.constant 32 : index
        %get3A_85 = tpu.vector_load %arg10[%get3A_83, %get3A_84] {strides = array<i32>} : memref<80x128xf32, #tpu.memory_space<vmem>>, vector<1x16xf32>,
        %get3A_86 = vector.shape_cast %get3A_85 : vector<1x16xf32> to vector<16xf32>
        %mul3A_87 = arith.mulf %get3A_86, %gather3A_59 : vector<16xf32>
        %swap3A_88 = arith.index_cast %add3A_63 : i32 to index
        %swap3A_89 = arith.constant 32 : index
        %swap3A_90 = tpu.vector_load %arg10[%swap3A_88, %swap3A_89] {strides = array<i32>} : memref<80x128xf32, #tpu.memory_space<vmem>>, vector<1x16xf32>,
        %swap3A_91 = vector.shape_cast %swap3A_90 : vector<1x16xf32> to vector<16xf32>
        %swap3A_92 = vector.shape_cast %mul3A_87 : vector<16xf32> to vector<1x16xf32>
        tpu.vector_store %arg10[%swap3A_88, %swap3A_89], %swap3A_92 {strides = array<i32>} : memref<80x128xf32, #tpu.memory_space<vmem>>, vector<1x16xf32>,
        %get3A_93 = arith.index_cast %add3A_63 : i32 to index
        %get3A_94 = arith.constant 48 : index
        %get3A_95 = tpu.vector_load %arg10[%get3A_93, %get3A_94] {strides = array<i32>} : memref<80x128xf32, #tpu.memory_space<vmem>>, vector<1x16xf32>,
        %get3A_96 = vector.shape_cast %get3A_95 : vector<1x16xf32> to vector<16xf32>
        %mul3A_97 = arith.mulf %get3A_96, %gather3A_59 : vector<16xf32>
        %swap3A_98 = arith.index_cast %add3A_63 : i32 to index
        %swap3A_99 = arith.constant 48 : index
        %swap3A_100 = tpu.vector_load %arg10[%swap3A_98, %swap3A_99] {strides = array<i32>} : memref<80x128xf32, #tpu.memory_space<vmem>>, vector<1x16xf32>,
        %swap3A_101 = vector.shape_cast %swap3A_100 : vector<1x16xf32> to vector<16xf32>
        %swap3A_102 = vector.shape_cast %mul3A_97 : vector<16xf32> to vector<1x16xf32>
        tpu.vector_store %arg10[%swap3A_98, %swap3A_99], %swap3A_102 {strides = array<i32>} : memref<80x128xf32, #tpu.memory_space<vmem>>, vector<1x16xf32>,
        %get3A_103 = arith.index_cast %add3A_63 : i32 to index
        %get3A_104 = arith.constant 64 : index
        %get3A_105 = tpu.vector_load %arg10[%get3A_103, %get3A_104] {strides = array<i32>} : memref<80x128xf32, #tpu.memory_space<vmem>>, vector<1x16xf32>,
        %get3A_106 = vector.shape_cast %get3A_105 : vector<1x16xf32> to vector<16xf32>
        %mul3A_107 = arith.mulf %get3A_106, %gather3A_59 : vector<16xf32>
        %swap3A_108 = arith.index_cast %add3A_63 : i32 to index
        %swap3A_109 = arith.constant 64 : index
        %swap3A_110 = tpu.vector_load %arg10[%swap3A_108, %swap3A_109] {strides = array<i32>} : memref<80x128xf32, #tpu.memory_space<vmem>>, vector<1x16xf32>,
        %swap3A_111 = vector.shape_cast %swap3A_110 : vector<1x16xf32> to vector<16xf32>
        %swap3A_112 = vector.shape_cast %mul3A_107 : vector<16xf32> to vector<1x16xf32>
        tpu.vector_store %arg10[%swap3A_108, %swap3A_109], %swap3A_112 {strides = array<i32>} : memref<80x128xf32, #tpu.memory_space<vmem>>, vector<1x16xf32>,
        %get3A_113 = arith.index_cast %add3A_63 : i32 to index
        %get3A_114 = arith.constant 80 : index
        %get3A_115 = tpu.vector_load %arg10[%get3A_113, %get3A_114] {strides = array<i32>} : memref<80x128xf32, #tpu.memory_space<vmem>>, vector<1x16xf32>,
        %get3A_116 = vector.shape_cast %get3A_115 : vector<1x16xf32> to vector<16xf32>
        %mul3A_117 = arith.mulf %get3A_116, %gather3A_59 : vector<16xf32>
        %swap3A_118 = arith.index_cast %add3A_63 : i32 to index
        %swap3A_119 = arith.constant 80 : index
        %swap3A_120 = tpu.vector_load %arg10[%swap3A_118, %swap3A_119] {strides = array<i32>} : memref<80x128xf32, #tpu.memory_space<vmem>>, vector<1x16xf32>,
        %swap3A_121 = vector.shape_cast %swap3A_120 : vector<1x16xf32> to vector<16xf32>
        %swap3A_122 = vector.shape_cast %mul3A_117 : vector<16xf32> to vector<1x16xf32>
        tpu.vector_store %arg10[%swap3A_118, %swap3A_119], %swap3A_122 {strides = array<i32>} : memref<80x128xf32, #tpu.memory_space<vmem>>, vector<1x16xf32>,
        %get3A_123 = arith.index_cast %add3A_63 : i32 to index
        %get3A_124 = arith.constant 96 : index
        %get3A_125 = tpu.vector_load %arg10[%get3A_123, %get3A_124] {strides = array<i32>} : memref<80x128xf32, #tpu.memory_space<vmem>>, vector<1x16xf32>,
        %get3A_126 = vector.shape_cast %get3A_125 : vector<1x16xf32> to vector<16xf32>
        %mul3A_127 = arith.mulf %get3A_126, %gather3A_59 : vector<16xf32>
        %swap3A_128 = arith.index_cast %add3A_63 : i32 to index
        %swap3A_129 = arith.constant 96 : index
        %swap3A_130 = tpu.vector_load %arg10[%swap3A_128, %swap3A_129] {strides = array<i32>} : memref<80x128xf32, #tpu.memory_space<vmem>>, vector<1x16xf32>,
        %swap3A_131 = vector.shape_cast %swap3A_130 : vector<1x16xf32> to vector<16xf32>
        %swap3A_132 = vector.shape_cast %mul3A_127 : vector<16xf32> to vector<1x16xf32>
        tpu.vector_store %arg10[%swap3A_128, %swap3A_129], %swap3A_132 {strides = array<i32>} : memref<80x128xf32, #tpu.memory_space<vmem>>, vector<1x16xf32>,
        %get3A_133 = arith.index_cast %add3A_63 : i32 to index
        %get3A_134 = arith.constant 112 : index
        %get3A_135 = tpu.vector_load %arg10[%get3A_133, %get3A_134] {strides = array<i32>} : memref<80x128xf32, #tpu.memory_space<vmem>>, vector<1x16xf32>,
        %get3A_136 = vector.shape_cast %get3A_135 : vector<1x16xf32> to vector<16xf32>
        %mul3A_137 = arith.mulf %get3A_136, %gather3A_59 : vector<16xf32>
        %swap3A_138 = arith.index_cast %add3A_63 : i32 to index
        %swap3A_139 = arith.constant 112 : index
        %swap3A_140 = tpu.vector_load %arg10[%swap3A_138, %swap3A_139] {strides = array<i32>} : memref<80x128xf32, #tpu.memory_space<vmem>>, vector<1x16xf32>,
        %swap3A_141 = vector.shape_cast %swap3A_140 : vector<1x16xf32> to vector<16xf32>
        %swap3A_142 = vector.shape_cast %mul3A_137 : vector<16xf32> to vector<1x16xf32>
        tpu.vector_store %arg10[%swap3A_138, %swap3A_139], %swap3A_142 {strides = array<i32>} : memref<80x128xf32, #tpu.memory_space<vmem>>, vector<1x16xf32>,
        %broadcast_in_dim3A_143 = arith.constant 1 : i32
        %broadcast_in_dim3A_144 = vector.broadcast %broadcast_in_dim3A_143 : i32 to vector<16x1xi32>
        %gather3A_145 = vector.shape_cast %broadcast_in_dim3A_144 : vector<16x1xi32> to vector<16xi32>
        %gather3A_146 = tpu.dynamic_gather %get3A_57[%gather3A_145] in [0] : vector<16xf32>, vector<16xi32> -> vector<16xf32>
        %mul3A_147 = arith.constant 16 : i32
        %mul3A_148 = arith.muli %scan3A_53, %mul3A_147 : i32
        %add3A_149 = arith.constant 1 : i32
        %add3A_150 = arith.addi %mul3A_148, %add3A_149 : i32
        %get3A_151 = arith.index_cast %add3A_150 : i32 to index
        %get3A_152 = arith.constant 0 : index
        %get3A_153 = tpu.vector_load %arg10[%get3A_151, %get3A_152] {strides = array<i32>} : memref<80x128xf32, #tpu.memory_space<vmem>>, vector<1x16xf32>,
        %get3A_154 = vector.shape_cast %get3A_153 : vector<1x16xf32> to vector<16xf32>
        %mul3A_155 = arith.mulf %get3A_154, %gather3A_146 : vector<16xf32>
        %swap3A_156 = arith.index_cast %add3A_150 : i32 to index
        %swap3A_157 = arith.constant 0 : index
        %swap3A_158 = tpu.vector_load %arg10[%swap3A_156, %swap3A_157] {strides = array<i32>} : memref<80x128xf32, #tpu.memory_space<vmem>>, vector<1x16xf32>,
        %swap3A_159 = vector.shape_cast %swap3A_158 : vector<1x16xf32> to vector<16xf32>
        %swap3A_160 = vector.shape_cast %mul3A_155 : vector<16xf32> to vector<1x16xf32>
        tpu.vector_store %arg10[%swap3A_156, %swap3A_157], %swap3A_160 {strides = array<i32>} : memref<80x128xf32, #tpu.memory_space<vmem>>, vector<1x16xf32>,
        %get3A_161 = arith.index_cast %add3A_150 : i32 to index
        %get3A_162 = arith.constant 16 : index
        %get3A_163 = tpu.vector_load %arg10[%get3A_161, %get3A_162] {strides = array<i32>} : memref<80x128xf32, #tpu.memory_space<vmem>>, vector<1x16xf32>,
        %get3A_164 = vector.shape_cast %get3A_163 : vector<1x16xf32> to vector<16xf32>
        %mul3A_165 = arith.mulf %get3A_164, %gather3A_146 : vector<16xf32>
        %swap3A_166 = arith.index_cast %add3A_150 : i32 to index
        %swap3A_167 = arith.constant 16 : index
        %swap3A_168 = tpu.vector_load %arg10[%swap3A_166, %swap3A_167] {strides = array<i32>} : memref<80x128xf32, #tpu.memory_space<vmem>>, vector<1x16xf32>,
        %swap3A_169 = vector.shape_cast %swap3A_168 : vector<1x16xf32> to vector<16xf32>
        %swap3A_170 = vector.shape_cast %mul3A_165 : vector<16xf32> to vector<1x16xf32>
        tpu.vector_store %arg10[%swap3A_166, %swap3A_167], %swap3A_170 {strides = array<i32>} : memref<80x128xf32, #tpu.memory_space<vmem>>, vector<1x16xf32>,
        %get3A_171 = arith.index_cast %add3A_150 : i32 to index
        %get3A_172 = arith.constant 32 : index
        %get3A_173 = tpu.vector_load %arg10[%get3A_171, %get3A_172] {strides = array<i32>} : memref<80x128xf32, #tpu.memory_space<vmem>>, vector<1x16xf32>,
        %get3A_174 = vector.shape_cast %get3A_173 : vector<1x16xf32> to vector<16xf32>
        %mul3A_175 = arith.mulf %get3A_174, %gather3A_146 : vector<16xf32>
        %swap3A_176 = arith.index_cast %add3A_150 : i32 to index
        %swap3A_177 = arith.constant 32 : index
        %swap3A_178 = tpu.vector_load %arg10[%swap3A_176, %swap3A_177] {strides = array<i32>} : memref<80x128xf32, #tpu.memory_space<vmem>>, vector<1x16xf32>,
        %swap3A_179 = vector.shape_cast %swap3A_178 : vector<1x16xf32> to vector<16xf32>
        %swap3A_180 = vector.shape_cast %mul3A_175 : vector<16xf32> to vector<1x16xf32>
        tpu.vector_store %arg10[%swap3A_176, %swap3A_177], %swap3A_180 {strides = array<i32>} : memref<80x128xf32, #tpu.memory_space<vmem>>, vector<1x16xf32>,
        %get3A_181 = arith.index_cast %add3A_150 : i32 to index
        %get3A_182 = arith.constant 48 : index
        %get3A_183 = tpu.vector_load %arg10[%get3A_181, %get3A_182] {strides = array<i32>} : memref<80x128xf32, #tpu.memory_space<vmem>>, vector<1x16xf32>,
        %get3A_184 = vector.shape_cast %get3A_183 : vector<1x16xf32> to vector<16xf32>
        %mul3A_185 = arith.mulf %get3A_184, %gather3A_146 : vector<16xf32>
        %swap3A_186 = arith.index_cast %add3A_150 : i32 to index
        %swap3A_187 = arith.constant 48 : index
        %swap3A_188 = tpu.vector_load %arg10[%swap3A_186, %swap3A_187] {strides = array<i32>} : memref<80x128xf32, #tpu.memory_space<vmem>>, vector<1x16xf32>,
        %swap3A_189 = vector.shape_cast %swap3A_188 : vector<1x16xf32> to vector<16xf32>
        %swap3A_190 = vector.shape_cast %mul3A_185 : vector<16xf32> to vector<1x16xf32>
        tpu.vector_store %arg10[%swap3A_186, %swap3A_187], %swap3A_190 {strides = array<i32>} : memref<80x128xf32, #tpu.memory_space<vmem>>, vector<1x16xf32>,
        %get3A_191 = arith.index_cast %add3A_150 : i32 to index
        %get3A_192 = arith.constant 64 : index
        %get3A_193 = tpu.vector_load %arg10[%get3A_191, %get3A_192] {strides = array<i32>} : memref<80x128xf32, #tpu.memory_space<vmem>>, vector<1x16xf32>,
        %get3A_194 = vector.shape_cast %get3A_193 : vector<1x16xf32> to vector<16xf32>
        %mul3A_195 = arith.mulf %get3A_194, %gather3A_146 : vector<16xf32>
        %swap3A_196 = arith.index_cast %add3A_150 : i32 to index
        %swap3A_197 = arith.constant 64 : index
        %swap3A_198 = tpu.vector_load %arg10[%swap3A_196, %swap3A_197] {strides = array<i32>} : memref<80x128xf32, #tpu.memory_space<vmem>>, vector<1x16xf32>,
        %swap3A_199 = vector.shape_cast %swap3A_198 : vector<1x16xf32> to vector<16xf32>
        %swap3A_200 = vector.shape_cast %mul3A_195 : vector<16xf32> to vector<1x16xf32>
        tpu.vector_store %arg10[%swap3A_196, %swap3A_197], %swap3A_200 {strides = array<i32>} : memref<80x128xf32, #tpu.memory_space<vmem>>, vector<1x16xf32>,
        %get3A_201 = arith.index_cast %add3A_150 : i32 to index
        %get3A_202 = arith.constant 80 : index
        %get3A_203 = tpu.vector_load %arg10[%get3A_201, %get3A_202] {strides = array<i32>} : memref<80x128xf32, #tpu.memory_space<vmem>>, vector<1x16xf32>,
        %get3A_204 = vector.shape_cast %get3A_203 : vector<1x16xf32> to vector<16xf32>
        %mul3A_205 = arith.mulf %get3A_204, %gather3A_146 : vector<16xf32>
        %swap3A_206 = arith.index_cast %add3A_150 : i32 to index
        %swap3A_207 = arith.constant 80 : index
        %swap3A_208 = tpu.vector_load %arg10[%swap3A_206, %swap3A_207] {strides = array<i32>} : memref<80x128xf32, #tpu.memory_space<vmem>>, vector<1x16xf32>,
        %swap3A_209 = vector.shape_cast %swap3A_208 : vector<1x16xf32> to vector<16xf32>
        %swap3A_210 = vector.shape_cast %mul3A_205 : vector<16xf32> to vector<1x16xf32>
        tpu.vector_store %arg10[%swap3A_206, %swap3A_207], %swap3A_210 {strides = array<i32>} : memref<80x128xf32, #tpu.memory_space<vmem>>, vector<1x16xf32>,
        %get3A_211 = arith.index_cast %add3A_150 : i32 to index
        %get3A_212 = arith.constant 96 : index
        %get3A_213 = tpu.vector_load %arg10[%get3A_211, %get3A_212] {strides = array<i32>} : memref<80x128xf32, #tpu.memory_space<vmem>>, vector<1x16xf32>,
        %get3A_214 = vector.shape_cast %get3A_213 : vector<1x16xf32> to vector<16xf32>
        %mul3A_215 = arith.mulf %get3A_214, %gather3A_146 : vector<16xf32>
        %swap3A_216 = arith.index_cast %add3A_150 : i32 to index
        %swap3A_217 = arith.constant 96 : index
        %swap3A_218 = tpu.vector_load %arg10[%swap3A_216, %swap3A_217] {strides = array<i32>} : memref<80x128xf32, #tpu.memory_space<vmem>>, vector<1x16xf32>,
        %swap3A_219 = vector.shape_cast %swap3A_218 : vector<1x16xf32> to vector<16xf32>
        %swap3A_220 = vector.shape_cast %mul3A_215 : vector<16xf32> to vector<1x16xf32>
        tpu.vector_store %arg10[%swap3A_216, %swap3A_217], %swap3A_220 {strides = array<i32>} : memref<80x128xf32, #tpu.memory_space<vmem>>, vector<1x16xf32>,
        %get3A_221 = arith.index_cast %add3A_150 : i32 to index
        %get3A_222 = arith.constant 112 : index
        %get3A_223 = tpu.vector_load %arg10[%get3A_221, %get3A_222] {strides = array<i32>} : memref<80x128xf32, #tpu.memory_space<vmem>>, vector<1x16xf32>,
        %get3A_224 = vector.shape_cast %get3A_223 : vector<1x16xf32> to vector<16xf32>
        %mul3A_225 = arith.mulf %get3A_224, %gather3A_146 : vector<16xf32>
        %swap3A_226 = arith.index_cast %add3A_150 : i32 to index
        %swap3A_227 = arith.constant 112 : index
        %swap3A_228 = tpu.vector_load %arg10[%swap3A_226, %swap3A_227] {strides = array<i32>} : memref<80x128xf32, #tpu.memory_space<vmem>>, vector<1x16xf32>,
        %swap3A_229 = vector.shape_cast %swap3A_228 : vector<1x16xf32> to vector<16xf32>
        %swap3A_230 = vector.shape_cast %mul3A_225 : vector<16xf32> to vector<1x16xf32>
        tpu.vector_store %arg10[%swap3A_226, %swap3A_227], %swap3A_230 {strides = array<i32>} : memref<80x128xf32, #tpu.memory_space<vmem>>, vector<1x16xf32>,
        %broadcast_in_dim3A_231 = arith.constant 2 : i32
        %broadcast_in_dim3A_232 = vector.broadcast %broadcast_in_dim3A_231 : i32 to vector<16x1xi32>
        %gather3A_233 = vector.shape_cast %broadcast_in_dim3A_232 : vector<16x1xi32> to vector<16xi32>
        %gather3A_234 = tpu.dynamic_gather %get3A_57[%gather3A_233] in [0] : vector<16xf32>, vector<16xi32> -> vector<16xf32>
        %mul3A_235 = arith.constant 16 : i32
        %mul3A_236 = arith.muli %scan3A_53, %mul3A_235 : i32
        %add3A_237 = arith.constant 2 : i32
        %add3A_238 = arith.addi %mul3A_236, %add3A_237 : i32
        %get3A_239 = arith.index_cast %add3A_238 : i32 to index
        %get3A_240 = arith.constant 0 : index
        %get3A_241 = tpu.vector_load %arg10[%get3A_239, %get3A_240] {strides = array<i32>} : memref<80x128xf32, #tpu.memory_space<vmem>>, vector<1x16xf32>,
        %get3A_242 = vector.shape_cast %get3A_241 : vector<1x16xf32> to vector<16xf32>
        %mul3A_243 = arith.mulf %get3A_242, %gather3A_234 : vector<16xf32>
        %swap3A_244 = arith.index_cast %add3A_238 : i32 to index
        %swap3A_245 = arith.constant 0 : index
        %swap3A_246 = tpu.vector_load %arg10[%swap3A_244, %swap3A_245] {strides = array<i32>} : memref<80x128xf32, #tpu.memory_space<vmem>>, vector<1x16xf32>,
        %swap3A_247 = vector.shape_cast %swap3A_246 : vector<1x16xf32> to vector<16xf32>
        %swap3A_248 = vector.shape_cast %mul3A_243 : vector<16xf32> to vector<1x16xf32>
        tpu.vector_store %arg10[%swap3A_244, %swap3A_245], %swap3A_248 {strides = array<i32>} : memref<80x128xf32, #tpu.memory_space<vmem>>, vector<1x16xf32>,
        %get3A_249 = arith.index_cast %add3A_238 : i32 to index
        %get3A_250 = arith.constant 16 : index
        %get3A_251 = tpu.vector_load %arg10[%get3A_249, %get3A_250] {strides = array<i32>} : memref<80x128xf32, #tpu.memory_space<vmem>>, vector<1x16xf32>,
        %get3A_252 = vector.shape_cast %get3A_251 : vector<1x16xf32> to vector<16xf32>
        %mul3A_253 = arith.mulf %get3A_252, %gather3A_234 : vector<16xf32>
        %swap3A_254 = arith.index_cast %add3A_238 : i32 to index
        %swap3A_255 = arith.constant 16 : index
        %swap3A_256 = tpu.vector_load %arg10[%swap3A_254, %swap3A_255] {strides = array<i32>} : memref<80x128xf32, #tpu.memory_space<vmem>>, vector<1x16xf32>,
        %swap3A_257 = vector.shape_cast %swap3A_256 : vector<1x16xf32> to vector<16xf32>
        %swap3A_258 = vector.shape_cast %mul3A_253 : vector<16xf32> to vector<1x16xf32>
        tpu.vector_store %arg10[%swap3A_254, %swap3A_255], %swap3A_258 {strides = array<i32>} : memref<80x128xf32, #tpu.memory_space<vmem>>, vector<1x16xf32>,
        %get3A_259 = arith.index_cast %add3A_238 : i32 to index
        %get3A_260 = arith.constant 32 : index
        %get3A_261 = tpu.vector_load %arg10[%get3A_259, %get3A_260] {strides = array<i32>} : memref<80x128xf32, #tpu.memory_space<vmem>>, vector<1x16xf32>,
        %get3A_262 = vector.shape_cast %get3A_261 : vector<1x16xf32> to vector<16xf32>
        %mul3A_263 = arith.mulf %get3A_262, %gather3A_234 : vector<16xf32>
        %swap3A_264 = arith.index_cast %add3A_238 : i32 to index
        %swap3A_265 = arith.constant 32 : index
        %swap3A_266 = tpu.vector_load %arg10[%swap3A_264, %swap3A_265] {strides = array<i32>} : memref<80x128xf32, #tpu.memory_space<vmem>>, vector<1x16xf32>,
        %swap3A_267 = vector.shape_cast %swap3A_266 : vector<1x16xf32> to vector<16xf32>
        %swap3A_268 = vector.shape_cast %mul3A_263 : vector<16xf32> to vector<1x16xf32>
        tpu.vector_store %arg10[%swap3A_264, %swap3A_265], %swap3A_268 {strides = array<i32>} : memref<80x128xf32, #tpu.memory_space<vmem>>, vector<1x16xf32>,
        %get3A_269 = arith.index_cast %add3A_238 : i32 to index
        %get3A_270 = arith.constant 48 : index
        %get3A_271 = tpu.vector_load %arg10[%get3A_269, %get3A_270] {strides = array<i32>} : memref<80x128xf32, #tpu.memory_space<vmem>>, vector<1x16xf32>,
        %get3A_272 = vector.shape_cast %get3A_271 : vector<1x16xf32> to vector<16xf32>
        %mul3A_273 = arith.mulf %get3A_272, %gather3A_234 : vector<16xf32>
        %swap3A_274 = arith.index_cast %add3A_238 : i32 to index
        %swap3A_275 = arith.constant 48 : index
        %swap3A_276 = tpu.vector_load %arg10[%swap3A_274, %swap3A_275] {strides = array<i32>} : memref<80x128xf32, #tpu.memory_space<vmem>>, vector<1x16xf32>,
        %swap3A_277 = vector.shape_cast %swap3A_276 : vector<1x16xf32> to vector<16xf32>
        %swap3A_278 = vector.shape_cast %mul3A_273 : vector<16xf32> to vector<1x16xf32>
        tpu.vector_store %arg10[%swap3A_274, %swap3A_275], %swap3A_278 {strides = array<i32>} : memref<80x128xf32, #tpu.memory_space<vmem>>, vector<1x16xf32>,
        %get3A_279 = arith.index_cast %add3A_238 : i32 to index
        %get3A_280 = arith.constant 64 : index
        %get3A_281 = tpu.vector_load %arg10[%get3A_279, %get3A_280] {strides = array<i32>} : memref<80x128xf32, #tpu.memory_space<vmem>>, vector<1x16xf32>,
        %get3A_282 = vector.shape_cast %get3A_281 : vector<1x16xf32> to vector<16xf32>
        %mul3A_283 = arith.mulf %get3A_282, %gather3A_234 : vector<16xf32>
        %swap3A_284 = arith.index_cast %add3A_238 : i32 to index
        %swap3A_285 = arith.constant 64 : index
        %swap3A_286 = tpu.vector_load %arg10[%swap3A_284, %swap3A_285] {strides = array<i32>} : memref<80x128xf32, #tpu.memory_space<vmem>>, vector<1x16xf32>,
        %swap3A_287 = vector.shape_cast %swap3A_286 : vector<1x16xf32> to vector<16xf32>
        %swap3A_288 = vector.shape_cast %mul3A_283 : vector<16xf32> to vector<1x16xf32>
        tpu.vector_store %arg10[%swap3A_284, %swap3A_285], %swap3A_288 {strides = array<i32>} : memref<80x128xf32, #tpu.memory_space<vmem>>, vector<1x16xf32>,
        %get3A_289 = arith.index_cast %add3A_238 : i32 to index
        %get3A_290 = arith.constant 80 : index
        %get3A_291 = tpu.vector_load %arg10[%get3A_289, %get3A_290] {strides = array<i32>} : memref<80x128xf32, #tpu.memory_space<vmem>>, vector<1x16xf32>,
        %get3A_292 = vector.shape_cast %get3A_291 : vector<1x16xf32> to vector<16xf32>
        %mul3A_293 = arith.mulf %get3A_292, %gather3A_234 : vector<16xf32>
        %swap3A_294 = arith.index_cast %add3A_238 : i32 to index
        %swap3A_295 = arith.constant 80 : index
        %swap3A_296 = tpu.vector_load %arg10[%swap3A_294, %swap3A_295] {strides = array<i32>} : memref<80x128xf32, #tpu.memory_space<vmem>>, vector<1x16xf32>,
        %swap3A_297 = vector.shape_cast %swap3A_296 : vector<1x16xf32> to vector<16xf32>
        %swap3A_298 = vector.shape_cast %mul3A_293 : vector<16xf32> to vector<1x16xf32>
        tpu.vector_store %arg10[%swap3A_294, %swap3A_295], %swap3A_298 {strides = array<i32>} : memref<80x128xf32, #tpu.memory_space<vmem>>, vector<1x16xf32>,
        %get3A_299 = arith.index_cast %add3A_238 : i32 to index
        %get3A_300 = arith.constant 96 : index
        %get3A_301 = tpu.vector_load %arg10[%get3A_299, %get3A_300] {strides = array<i32>} : memref<80x128xf32, #tpu.memory_space<vmem>>, vector<1x16xf32>,
        %get3A_302 = vector.shape_cast %get3A_301 : vector<1x16xf32> to vector<16xf32>
        %mul3A_303 = arith.mulf %get3A_302, %gather3A_234 : vector<16xf32>
        %swap3A_304 = arith.index_cast %add3A_238 : i32 to index
        %swap3A_305 = arith.constant 96 : index
        %swap3A_306 = tpu.vector_load %arg10[%swap3A_304, %swap3A_305] {strides = array<i32>} : memref<80x128xf32, #tpu.memory_space<vmem>>, vector<1x16xf32>,
        %swap3A_307 = vector.shape_cast %swap3A_306 : vector<1x16xf32> to vector<16xf32>
        %swap3A_308 = vector.shape_cast %mul3A_303 : vector<16xf32> to vector<1x16xf32>
        tpu.vector_store %arg10[%swap3A_304, %swap3A_305], %swap3A_308 {strides = array<i32>} : memref<80x128xf32, #tpu.memory_space<vmem>>, vector<1x16xf32>,
        %get3A_309 = arith.index_cast %add3A_238 : i32 to index
        %get3A_310 = arith.constant 112 : index
        %get3A_311 = tpu.vector_load %arg10[%get3A_309, %get3A_310] {strides = array<i32>} : memref<80x128xf32, #tpu.memory_space<vmem>>, vector<1x16xf32>,
        %get3A_312 = vector.shape_cast %get3A_311 : vector<1x16xf32> to vector<16xf32>
        %mul3A_313 = arith.mulf %get3A_312, %gather3A_234 : vector<16xf32>
        %swap3A_314 = arith.index_cast %add3A_238 : i32 to index
        %swap3A_315 = arith.constant 112 : index
        %swap3A_316 = tpu.vector_load %arg10[%swap3A_314, %swap3A_315] {strides = array<i32>} : memref<80x128xf32, #tpu.memory_space<vmem>>, vector<1x16xf32>,
        %swap3A_317 = vector.shape_cast %swap3A_316 : vector<1x16xf32> to vector<16xf32>
        %swap3A_318 = vector.shape_cast %mul3A_313 : vector<16xf32> to vector<1x16xf32>
        tpu.vector_store %arg10[%swap3A_314, %swap3A_315], %swap3A_318 {strides = array<i32>} : memref<80x128xf32, #tpu.memory_space<vmem>>, vector<1x16xf32>,
        %broadcast_in_dim3A_319 = arith.constant 3 : i32
        %broadcast_in_dim3A_320 = vector.broadcast %broadcast_in_dim3A_319 : i32 to vector<16x1xi32>
        %gather3A_321 = vector.shape_cast %broadcast_in_dim3A_320 : vector<16x1xi32> to vector<16xi32>
        %gather3A_322 = tpu.dynamic_gather %get3A_57[%gather3A_321] in [0] : vector<16xf32>, vector<16xi32> -> vector<16xf32>
        %mul3A_323 = arith.constant 16 : i32
        %mul3A_324 = arith.muli %scan3A_53, %mul3A_323 : i32
        %add3A_325 = arith.constant 3 : i32
        %add3A_326 = arith.addi %mul3A_324, %add3A_325 : i32
        %get3A_327 = arith.index_cast %add3A_326 : i32 to index
        %get3A_328 = arith.constant 0 : index
        %get3A_329 = tpu.vector_load %arg10[%get3A_327, %get3A_328] {strides = array<i32>} : memref<80x128xf32, #tpu.memory_space<vmem>>, vector<1x16xf32>,
        %get3A_330 = vector.shape_cast %get3A_329 : vector<1x16xf32> to vector<16xf32>
        %mul3A_331 = arith.mulf %get3A_330, %gather3A_322 : vector<16xf32>
        %swap3A_332 = arith.index_cast %add3A_326 : i32 to index
        %swap3A_333 = arith.constant 0 : index
        %swap3A_334 = tpu.vector_load %arg10[%swap3A_332, %swap3A_333] {strides = array<i32>} : memref<80x128xf32, #tpu.memory_space<vmem>>, vector<1x16xf32>,
        %swap3A_335 = vector.shape_cast %swap3A_334 : vector<1x16xf32> to vector<16xf32>
        %swap3A_336 = vector.shape_cast %mul3A_331 : vector<16xf32> to vector<1x16xf32>
        tpu.vector_store %arg10[%swap3A_332, %swap3A_333], %swap3A_336 {strides = array<i32>} : memref<80x128xf32, #tpu.memory_space<vmem>>, vector<1x16xf32>,
        %get3A_337 = arith.index_cast %add3A_326 : i32 to index
        %get3A_338 = arith.constant 16 : index
        %get3A_339 = tpu.vector_load %arg10[%get3A_337, %get3A_338] {strides = array<i32>} : memref<80x128xf32, #tpu.memory_space<vmem>>, vector<1x16xf32>,
        %get3A_340 = vector.shape_cast %get3A_339 : vector<1x16xf32> to vector<16xf32>
        %mul3A_341 = arith.mulf %get3A_340, %gather3A_322 : vector<16xf32>
        %swap3A_342 = arith.index_cast %add3A_326 : i32 to index
        %swap3A_343 = arith.constant 16 : index
        %swap3A_344 = tpu.vector_load %arg10[%swap3A_342, %swap3A_343] {strides = array<i32>} : memref<80x128xf32, #tpu.memory_space<vmem>>, vector<1x16xf32>,
        %swap3A_345 = vector.shape_cast %swap3A_344 : vector<1x16xf32> to vector<16xf32>
        %swap3A_346 = vector.shape_cast %mul3A_341 : vector<16xf32> to vector<1x16xf32>
        tpu.vector_store %arg10[%swap3A_342, %swap3A_343], %swap3A_346 {strides = array<i32>} : memref<80x128xf32, #tpu.memory_space<vmem>>, vector<1x16xf32>,
        %get3A_347 = arith.index_cast %add3A_326 : i32 to index
        %get3A_348 = arith.constant 32 : index
        %get3A_349 = tpu.vector_load %arg10[%get3A_347, %get3A_348] {strides = array<i32>} : memref<80x128xf32, #tpu.memory_space<vmem>>, vector<1x16xf32>,
        %get3A_350 = vector.shape_cast %get3A_349 : vector<1x16xf32> to vector<16xf32>
        %mul3A_351 = arith.mulf %get3A_350, %gather3A_322 : vector<16xf32>
        %swap3A_352 = arith.index_cast %add3A_326 : i32 to index
        %swap3A_353 = arith.constant 32 : index
        %swap3A_354 = tpu.vector_load %arg10[%swap3A_352, %swap3A_353] {strides = array<i32>} : memref<80x128xf32, #tpu.memory_space<vmem>>, vector<1x16xf32>,
        %swap3A_355 = vector.shape_cast %swap3A_354 : vector<1x16xf32> to vector<16xf32>
        %swap3A_356 = vector.shape_cast %mul3A_351 : vector<16xf32> to vector<1x16xf32>
        tpu.vector_store %arg10[%swap3A_352, %swap3A_353], %swap3A_356 {strides = array<i32>} : memref<80x128xf32, #tpu.memory_space<vmem>>, vector<1x16xf32>,
        %get3A_357 = arith.index_cast %add3A_326 : i32 to index
        %get3A_358 = arith.constant 48 : index
        %get3A_359 = tpu.vector_load %arg10[%get3A_357, %get3A_358] {strides = array<i32>} : memref<80x128xf32, #tpu.memory_space<vmem>>, vector<1x16xf32>,
        %get3A_360 = vector.shape_cast %get3A_359 : vector<1x16xf32> to vector<16xf32>
        %mul3A_361 = arith.mulf %get3A_360, %gather3A_322 : vector<16xf32>
        %swap3A_362 = arith.index_cast %add3A_326 : i32 to index
        %swap3A_363 = arith.constant 48 : index
        %swap3A_364 = tpu.vector_load %arg10[%swap3A_362, %swap3A_363] {strides = array<i32>} : memref<80x128xf32, #tpu.memory_space<vmem>>, vector<1x16xf32>,
        %swap3A_365 = vector.shape_cast %swap3A_364 : vector<1x16xf32> to vector<16xf32>
        %swap3A_366 = vector.shape_cast %mul3A_361 : vector<16xf32> to vector<1x16xf32>
        tpu.vector_store %arg10[%swap3A_362, %swap3A_363], %swap3A_366 {strides = array<i32>} : memref<80x128xf32, #tpu.memory_space<vmem>>, vector<1x16xf32>,
        %get3A_367 = arith.index_cast %add3A_326 : i32 to index
        %get3A_368 = arith.constant 64 : index
        %get3A_369 = tpu.vector_load %arg10[%get3A_367, %get3A_368] {strides = array<i32>} : memref<80x128xf32, #tpu.memory_space<vmem>>, vector<1x16xf32>,
        %get3A_370 = vector.shape_cast %get3A_369 : vector<1x16xf32> to vector<16xf32>
        %mul3A_371 = arith.mulf %get3A_370, %gather3A_322 : vector<16xf32>
        %swap3A_372 = arith.index_cast %add3A_326 : i32 to index
        %swap3A_373 = arith.constant 64 : index
        %swap3A_374 = tpu.vector_load %arg10[%swap3A_372, %swap3A_373] {strides = array<i32>} : memref<80x128xf32, #tpu.memory_space<vmem>>, vector<1x16xf32>,
        %swap3A_375 = vector.shape_cast %swap3A_374 : vector<1x16xf32> to vector<16xf32>
        %swap3A_376 = vector.shape_cast %mul3A_371 : vector<16xf32> to vector<1x16xf32>
        tpu.vector_store %arg10[%swap3A_372, %swap3A_373], %swap3A_376 {strides = array<i32>} : memref<80x128xf32, #tpu.memory_space<vmem>>, vector<1x16xf32>,
        %get3A_377 = arith.index_cast %add3A_326 : i32 to index
        %get3A_378 = arith.constant 80 : index
        %get3A_379 = tpu.vector_load %arg10[%get3A_377, %get3A_378] {strides = array<i32>} : memref<80x128xf32, #tpu.memory_space<vmem>>, vector<1x16xf32>,
        %get3A_380 = vector.shape_cast %get3A_379 : vector<1x16xf32> to vector<16xf32>
        %mul3A_381 = arith.mulf %get3A_380, %gather3A_322 : vector<16xf32>
        %swap3A_382 = arith.index_cast %add3A_326 : i32 to index
        %swap3A_383 = arith.constant 80 : index
        %swap3A_384 = tpu.vector_load %arg10[%swap3A_382, %swap3A_383] {strides = array<i32>} : memref<80x128xf32, #tpu.memory_space<vmem>>, vector<1x16xf32>,
        %swap3A_385 = vector.shape_cast %swap3A_384 : vector<1x16xf32> to vector<16xf32>
        %swap3A_386 = vector.shape_cast %mul3A_381 : vector<16xf32> to vector<1x16xf32>
        tpu.vector_store %arg10[%swap3A_382, %swap3A_383], %swap3A_386 {strides = array<i32>} : memref<80x128xf32, #tpu.memory_space<vmem>>, vector<1x16xf32>,
        %get3A_387 = arith.index_cast %add3A_326 : i32 to index
        %get3A_388 = arith.constant 96 : index
        %get3A_389 = tpu.vector_load %arg10[%get3A_387, %get3A_388] {strides = array<i32>} : memref<80x128xf32, #tpu.memory_space<vmem>>, vector<1x16xf32>,
        %get3A_390 = vector.shape_cast %get3A_389 : vector<1x16xf32> to vector<16xf32>
        %mul3A_391 = arith.mulf %get3A_390, %gather3A_322 : vector<16xf32>
        %swap3A_392 = arith.index_cast %add3A_326 : i32 to index
        %swap3A_393 = arith.constant 96 : index
        %swap3A_394 = tpu.vector_load %arg10[%swap3A_392, %swap3A_393] {strides = array<i32>} : memref<80x128xf32, #tpu.memory_space<vmem>>, vector<1x16xf32>,
        %swap3A_395 = vector.shape_cast %swap3A_394 : vector<1x16xf32> to vector<16xf32>
        %swap3A_396 = vector.shape_cast %mul3A_391 : vector<16xf32> to vector<1x16xf32>
        tpu.vector_store %arg10[%swap3A_392, %swap3A_393], %swap3A_396 {strides = array<i32>} : memref<80x128xf32, #tpu.memory_space<vmem>>, vector<1x16xf32>,
        %get3A_397 = arith.index_cast %add3A_326 : i32 to index
        %get3A_398 = arith.constant 112 : index
        %get3A_399 = tpu.vector_load %arg10[%get3A_397, %get3A_398] {strides = array<i32>} : memref<80x128xf32, #tpu.memory_space<vmem>>, vector<1x16xf32>,
        %get3A_400 = vector.shape_cast %get3A_399 : vector<1x16xf32> to vector<16xf32>
        %mul3A_401 = arith.mulf %get3A_400, %gather3A_322 : vector<16xf32>
        %swap3A_402 = arith.index_cast %add3A_326 : i32 to index
        %swap3A_403 = arith.constant 112 : index
        %swap3A_404 = tpu.vector_load %arg10[%swap3A_402, %swap3A_403] {strides = array<i32>} : memref<80x128xf32, #tpu.memory_space<vmem>>, vector<1x16xf32>,
        %swap3A_405 = vector.shape_cast %swap3A_404 : vector<1x16xf32> to vector<16xf32>
        %swap3A_406 = vector.shape_cast %mul3A_401 : vector<16xf32> to vector<1x16xf32>
        tpu.vector_store %arg10[%swap3A_402, %swap3A_403], %swap3A_406 {strides = array<i32>} : memref<80x128xf32, #tpu.memory_space<vmem>>, vector<1x16xf32>,
        %broadcast_in_dim3A_407 = arith.constant 4 : i32
        %broadcast_in_dim3A_408 = vector.broadcast %broadcast_in_dim3A_407 : i32 to vector<16x1xi32>
        %gather3A_409 = vector.shape_cast %broadcast_in_dim3A_408 : vector<16x1xi32> to vector<16xi32>
        %gather3A_410 = tpu.dynamic_gather %get3A_57[%gather3A_409] in [0] : vector<16xf32>, vector<16xi32> -> vector<16xf32>
        %mul3A_411 = arith.constant 16 : i32
        %mul3A_412 = arith.muli %scan3A_53, %mul3A_411 : i32
        %add3A_413 = arith.constant 4 : i32
        %add3A_414 = arith.addi %mul3A_412, %add3A_413 : i32
        %get3A_415 = arith.index_cast %add3A_414 : i32 to index
        %get3A_416 = arith.constant 0 : index
        %get3A_417 = tpu.vector_load %arg10[%get3A_415, %get3A_416] {strides = array<i32>} : memref<80x128xf32, #tpu.memory_space<vmem>>, vector<1x16xf32>,
        %get3A_418 = vector.shape_cast %get3A_417 : vector<1x16xf32> to vector<16xf32>
        %mul3A_419 = arith.mulf %get3A_418, %gather3A_410 : vector<16xf32>
        %swap3A_420 = arith.index_cast %add3A_414 : i32 to index
        %swap3A_421 = arith.constant 0 : index
        %swap3A_422 = tpu.vector_load %arg10[%swap3A_420, %swap3A_421] {strides = array<i32>} : memref<80x128xf32, #tpu.memory_space<vmem>>, vector<1x16xf32>,
        %swap3A_423 = vector.shape_cast %swap3A_422 : vector<1x16xf32> to vector<16xf32>
        %swap3A_424 = vector.shape_cast %mul3A_419 : vector<16xf32> to vector<1x16xf32>
        tpu.vector_store %arg10[%swap3A_420, %swap3A_421], %swap3A_424 {strides = array<i32>} : memref<80x128xf32, #tpu.memory_space<vmem>>, vector<1x16xf32>,
        %get3A_425 = arith.index_cast %add3A_414 : i32 to index
        %get3A_426 = arith.constant 16 : index
        %get3A_427 = tpu.vector_load %arg10[%get3A_425, %get3A_426] {strides = array<i32>} : memref<80x128xf32, #tpu.memory_space<vmem>>, vector<1x16xf32>,
        %get3A_428 = vector.shape_cast %get3A_427 : vector<1x16xf32> to vector<16xf32>
        %mul3A_429 = arith.mulf %get3A_428, %gather3A_410 : vector<16xf32>
        %swap3A_430 = arith.index_cast %add3A_414 : i32 to index
        %swap3A_431 = arith.constant 16 : index
        %swap3A_432 = tpu.vector_load %arg10[%swap3A_430, %swap3A_431] {strides = array<i32>} : memref<80x128xf32, #tpu.memory_space<vmem>>, vector<1x16xf32>,
        %swap3A_433 = vector.shape_cast %swap3A_432 : vector<1x16xf32> to vector<16xf32>
        %swap3A_434 = vector.shape_cast %mul3A_429 : vector<16xf32> to vector<1x16xf32>
        tpu.vector_store %arg10[%swap3A_430, %swap3A_431], %swap3A_434 {strides = array<i32>} : memref<80x128xf32, #tpu.memory_space<vmem>>, vector<1x16xf32>,
        %get3A_435 = arith.index_cast %add3A_414 : i32 to index
        %get3A_436 = arith.constant 32 : index
        %get3A_437 = tpu.vector_load %arg10[%get3A_435, %get3A_436] {strides = array<i32>} : memref<80x128xf32, #tpu.memory_space<vmem>>, vector<1x16xf32>,
        %get3A_438 = vector.shape_cast %get3A_437 : vector<1x16xf32> to vector<16xf32>
        %mul3A_439 = arith.mulf %get3A_438, %gather3A_410 : vector<16xf32>
        %swap3A_440 = arith.index_cast %add3A_414 : i32 to index
        %swap3A_441 = arith.constant 32 : index
        %swap3A_442 = tpu.vector_load %arg10[%swap3A_440, %swap3A_441] {strides = array<i32>} : memref<80x128xf32, #tpu.memory_space<vmem>>, vector<1x16xf32>,
        %swap3A_443 = vector.shape_cast %swap3A_442 : vector<1x16xf32> to vector<16xf32>
        %swap3A_444 = vector.shape_cast %mul3A_439 : vector<16xf32> to vector<1x16xf32>
        tpu.vector_store %arg10[%swap3A_440, %swap3A_441], %swap3A_444 {strides = array<i32>} : memref<80x128xf32, #tpu.memory_space<vmem>>, vector<1x16xf32>,
        %get3A_445 = arith.index_cast %add3A_414 : i32 to index
        %get3A_446 = arith.constant 48 : index
        %get3A_447 = tpu.vector_load %arg10[%get3A_445, %get3A_446] {strides = array<i32>} : memref<80x128xf32, #tpu.memory_space<vmem>>, vector<1x16xf32>,
        %get3A_448 = vector.shape_cast %get3A_447 : vector<1x16xf32> to vector<16xf32>
        %mul3A_449 = arith.mulf %get3A_448, %gather3A_410 : vector<16xf32>
        %swap3A_450 = arith.index_cast %add3A_414 : i32 to index
        %swap3A_451 = arith.constant 48 : index
        %swap3A_452 = tpu.vector_load %arg10[%swap3A_450, %swap3A_451] {strides = array<i32>} : memref<80x128xf32, #tpu.memory_space<vmem>>, vector<1x16xf32>,
        %swap3A_453 = vector.shape_cast %swap3A_452 : vector<1x16xf32> to vector<16xf32>
        %swap3A_454 = vector.shape_cast %mul3A_449 : vector<16xf32> to vector<1x16xf32>
        tpu.vector_store %arg10[%swap3A_450, %swap3A_451], %swap3A_454 {strides = array<i32>} : memref<80x128xf32, #tpu.memory_space<vmem>>, vector<1x16xf32>,
        %get3A_455 = arith.index_cast %add3A_414 : i32 to index
        %get3A_456 = arith.constant 64 : index
        %get3A_457 = tpu.vector_load %arg10[%get3A_455, %get3A_456] {strides = array<i32>} : memref<80x128xf32, #tpu.memory_space<vmem>>, vector<1x16xf32>,
        %get3A_458 = vector.shape_cast %get3A_457 : vector<1x16xf32> to vector<16xf32>
        %mul3A_459 = arith.mulf %get3A_458, %gather3A_410 : vector<16xf32>
        %swap3A_460 = arith.index_cast %add3A_414 : i32 to index
        %swap3A_461 = arith.constant 64 : index
        %swap3A_462 = tpu.vector_load %arg10[%swap3A_460, %swap3A_461] {strides = array<i32>} : memref<80x128xf32, #tpu.memory_space<vmem>>, vector<1x16xf32>,
        %swap3A_463 = vector.shape_cast %swap3A_462 : vector<1x16xf32> to vector<16xf32>
        %swap3A_464 = vector.shape_cast %mul3A_459 : vector<16xf32> to vector<1x16xf32>
        tpu.vector_store %arg10[%swap3A_460, %swap3A_461], %swap3A_464 {strides = array<i32>} : memref<80x128xf32, #tpu.memory_space<vmem>>, vector<1x16xf32>,
        %get3A_465 = arith.index_cast %add3A_414 : i32 to index
        %get3A_466 = arith.constant 80 : index
        %get3A_467 = tpu.vector_load %arg10[%get3A_465, %get3A_466] {strides = array<i32>} : memref<80x128xf32, #tpu.memory_space<vmem>>, vector<1x16xf32>,
        %get3A_468 = vector.shape_cast %get3A_467 : vector<1x16xf32> to vector<16xf32>
        %mul3A_469 = arith.mulf %get3A_468, %gather3A_410 : vector<16xf32>
        %swap3A_470 = arith.index_cast %add3A_414 : i32 to index
        %swap3A_471 = arith.constant 80 : index
        %swap3A_472 = tpu.vector_load %arg10[%swap3A_470, %swap3A_471] {strides = array<i32>} : memref<80x128xf32, #tpu.memory_space<vmem>>, vector<1x16xf32>,
        %swap3A_473 = vector.shape_cast %swap3A_472 : vector<1x16xf32> to vector<16xf32>
        %swap3A_474 = vector.shape_cast %mul3A_469 : vector<16xf32> to vector<1x16xf32>
        tpu.vector_store %arg10[%swap3A_470, %swap3A_471], %swap3A_474 {strides = array<i32>} : memref<80x128xf32, #tpu.memory_space<vmem>>, vector<1x16xf32>,
        %get3A_475 = arith.index_cast %add3A_414 : i32 to index
        %get3A_476 = arith.constant 96 : index
        %get3A_477 = tpu.vector_load %arg10[%get3A_475, %get3A_476] {strides = array<i32>} : memref<80x128xf32, #tpu.memory_space<vmem>>, vector<1x16xf32>,
        %get3A_478 = vector.shape_cast %get3A_477 : vector<1x16xf32> to vector<16xf32>
        %mul3A_479 = arith.mulf %get3A_478, %gather3A_410 : vector<16xf32>
        %swap3A_480 = arith.index_cast %add3A_414 : i32 to index
        %swap3A_481 = arith.constant 96 : index
        %swap3A_482 = tpu.vector_load %arg10[%swap3A_480, %swap3A_481] {strides = array<i32>} : memref<80x128xf32, #tpu.memory_space<vmem>>, vector<1x16xf32>,
        %swap3A_483 = vector.shape_cast %swap3A_482 : vector<1x16xf32> to vector<16xf32>
        %swap3A_484 = vector.shape_cast %mul3A_479 : vector<16xf32> to vector<1x16xf32>
        tpu.vector_store %arg10[%swap3A_480, %swap3A_481], %swap3A_484 {strides = array<i32>} : memref<80x128xf32, #tpu.memory_space<vmem>>, vector<1x16xf32>,
        %get3A_485 = arith.index_cast %add3A_414 : i32 to index
        %get3A_486 = arith.constant 112 : index
        %get3A_487 = tpu.vector_load %arg10[%get3A_485, %get3A_486] {strides = array<i32>} : memref<80x128xf32, #tpu.memory_space<vmem>>, vector<1x16xf32>,
        %get3A_488 = vector.shape_cast %get3A_487 : vector<1x16xf32> to vector<16xf32>
        %mul3A_489 = arith.mulf %get3A_488, %gather3A_410 : vector<16xf32>
        %swap3A_490 = arith.index_cast %add3A_414 : i32 to index
        %swap3A_491 = arith.constant 112 : index
        %swap3A_492 = tpu.vector_load %arg10[%swap3A_490, %swap3A_491] {strides = array<i32>} : memref<80x128xf32, #tpu.memory_space<vmem>>, vector<1x16xf32>,
        %swap3A_493 = vector.shape_cast %swap3A_492 : vector<1x16xf32> to vector<16xf32>
        %swap3A_494 = vector.shape_cast %mul3A_489 : vector<16xf32> to vector<1x16xf32>
        tpu.vector_store %arg10[%swap3A_490, %swap3A_491], %swap3A_494 {strides = array<i32>} : memref<80x128xf32, #tpu.memory_space<vmem>>, vector<1x16xf32>,
        %broadcast_in_dim3A_495 = arith.constant 5 : i32
        %broadcast_in_dim3A_496 = vector.broadcast %broadcast_in_dim3A_495 : i32 to vector<16x1xi32>
        %gather3A_497 = vector.shape_cast %broadcast_in_dim3A_496 : vector<16x1xi32> to vector<16xi32>
        %gather3A_498 = tpu.dynamic_gather %get3A_57[%gather3A_497] in [0] : vector<16xf32>, vector<16xi32> -> vector<16xf32>
        %mul3A_499 = arith.constant 16 : i32
        %mul3A_500 = arith.muli %scan3A_53, %mul3A_499 : i32
        %add3A_501 = arith.constant 5 : i32
        %add3A_502 = arith.addi %mul3A_500, %add3A_501 : i32
        %get3A_503 = arith.index_cast %add3A_502 : i32 to index
        %get3A_504 = arith.constant 0 : index
        %get3A_505 = tpu.vector_load %arg10[%get3A_503, %get3A_504] {strides = array<i32>} : memref<80x128xf32, #tpu.memory_space<vmem>>, vector<1x16xf32>,
        %get3A_506 = vector.shape_cast %get3A_505 : vector<1x16xf32> to vector<16xf32>
        %mul3A_507 = arith.mulf %get3A_506, %gather3A_498 : vector<16xf32>
        %swap3A_508 = arith.index_cast %add3A_502 : i32 to index
        %swap3A_509 = arith.constant 0 : index
        %swap3A_510 = tpu.vector_load %arg10[%swap3A_508, %swap3A_509] {strides = array<i32>} : memref<80x128xf32, #tpu.memory_space<vmem>>, vector<1x16xf32>,
        %swap3A_511 = vector.shape_cast %swap3A_510 : vector<1x16xf32> to vector<16xf32>
        %swap3A_512 = vector.shape_cast %mul3A_507 : vector<16xf32> to vector<1x16xf32>
        tpu.vector_store %arg10[%swap3A_508, %swap3A_509], %swap3A_512 {strides = array<i32>} : memref<80x128xf32, #tpu.memory_space<vmem>>, vector<1x16xf32>,
        %get3A_513 = arith.index_cast %add3A_502 : i32 to index
        %get3A_514 = arith.constant 16 : index
        %get3A_515 = tpu.vector_load %arg10[%get3A_513, %get3A_514] {strides = array<i32>} : memref<80x128xf32, #tpu.memory_space<vmem>>, vector<1x16xf32>,
        %get3A_516 = vector.shape_cast %get3A_515 : vector<1x16xf32> to vector<16xf32>
        %mul3A_517 = arith.mulf %get3A_516, %gather3A_498 : vector<16xf32>
        %swap3A_518 = arith.index_cast %add3A_502 : i32 to index
        %swap3A_519 = arith.constant 16 : index
        %swap3A_520 = tpu.vector_load %arg10[%swap3A_518, %swap3A_519] {strides = array<i32>} : memref<80x128xf32, #tpu.memory_space<vmem>>, vector<1x16xf32>,
        %swap3A_521 = vector.shape_cast %swap3A_520 : vector<1x16xf32> to vector<16xf32>
        %swap3A_522 = vector.shape_cast %mul3A_517 : vector<16xf32> to vector<1x16xf32>
        tpu.vector_store %arg10[%swap3A_518, %swap3A_519], %swap3A_522 {strides = array<i32>} : memref<80x128xf32, #tpu.memory_space<vmem>>, vector<1x16xf32>,
        %get3A_523 = arith.index_cast %add3A_502 : i32 to index
        %get3A_524 = arith.constant 32 : index
        %get3A_525 = tpu.vector_load %arg10[%get3A_523, %get3A_524] {strides = array<i32>} : memref<80x128xf32, #tpu.memory_space<vmem>>, vector<1x16xf32>,
        %get3A_526 = vector.shape_cast %get3A_525 : vector<1x16xf32> to vector<16xf32>
        %mul3A_527 = arith.mulf %get3A_526, %gather3A_498 : vector<16xf32>
        %swap3A_528 = arith.index_cast %add3A_502 : i32 to index
        %swap3A_529 = arith.constant 32 : index
        %swap3A_530 = tpu.vector_load %arg10[%swap3A_528, %swap3A_529] {strides = array<i32>} : memref<80x128xf32, #tpu.memory_space<vmem>>, vector<1x16xf32>,
        %swap3A_531 = vector.shape_cast %swap3A_530 : vector<1x16xf32> to vector<16xf32>
        %swap3A_532 = vector.shape_cast %mul3A_527 : vector<16xf32> to vector<1x16xf32>
        tpu.vector_store %arg10[%swap3A_528, %swap3A_529], %swap3A_532 {strides = array<i32>} : memref<80x128xf32, #tpu.memory_space<vmem>>, vector<1x16xf32>,
        %get3A_533 = arith.index_cast %add3A_502 : i32 to index
        %get3A_534 = arith.constant 48 : index
        %get3A_535 = tpu.vector_load %arg10[%get3A_533, %get3A_534] {strides = array<i32>} : memref<80x128xf32, #tpu.memory_space<vmem>>, vector<1x16xf32>,
        %get3A_536 = vector.shape_cast %get3A_535 : vector<1x16xf32> to vector<16xf32>
        %mul3A_537 = arith.mulf %get3A_536, %gather3A_498 : vector<16xf32>
        %swap3A_538 = arith.index_cast %add3A_502 : i32 to index
        %swap3A_539 = arith.constant 48 : index
        %swap3A_540 = tpu.vector_load %arg10[%swap3A_538, %swap3A_539] {strides = array<i32>} : memref<80x128xf32, #tpu.memory_space<vmem>>, vector<1x16xf32>,
        %swap3A_541 = vector.shape_cast %swap3A_540 : vector<1x16xf32> to vector<16xf32>
        %swap3A_542 = vector.shape_cast %mul3A_537 : vector<16xf32> to vector<1x16xf32>
        tpu.vector_store %arg10[%swap3A_538, %swap3A_539], %swap3A_542 {strides = array<i32>} : memref<80x128xf32, #tpu.memory_space<vmem>>, vector<1x16xf32>,
        %get3A_543 = arith.index_cast %add3A_502 : i32 to index
        %get3A_544 = arith.constant 64 : index
        %get3A_545 = tpu.vector_load %arg10[%get3A_543, %get3A_544] {strides = array<i32>} : memref<80x128xf32, #tpu.memory_space<vmem>>, vector<1x16xf32>,
        %get3A_546 = vector.shape_cast %get3A_545 : vector<1x16xf32> to vector<16xf32>
        %mul3A_547 = arith.mulf %get3A_546, %gather3A_498 : vector<16xf32>
        %swap3A_548 = arith.index_cast %add3A_502 : i32 to index
        %swap3A_549 = arith.constant 64 : index
        %swap3A_550 = tpu.vector_load %arg10[%swap3A_548, %swap3A_549] {strides = array<i32>} : memref<80x128xf32, #tpu.memory_space<vmem>>, vector<1x16xf32>,
        %swap3A_551 = vector.shape_cast %swap3A_550 : vector<1x16xf32> to vector<16xf32>
        %swap3A_552 = vector.shape_cast %mul3A_547 : vector<16xf32> to vector<1x16xf32>
        tpu.vector_store %arg10[%swap3A_548, %swap3A_549], %swap3A_552 {strides = array<i32>} : memref<80x128xf32, #tpu.memory_space<vmem>>, vector<1x16xf32>,
        %get3A_553 = arith.index_cast %add3A_502 : i32 to index
        %get3A_554 = arith.constant 80 : index
        %get3A_555 = tpu.vector_load %arg10[%get3A_553, %get3A_554] {strides = array<i32>} : memref<80x128xf32, #tpu.memory_space<vmem>>, vector<1x16xf32>,
        %get3A_556 = vector.shape_cast %get3A_555 : vector<1x16xf32> to vector<16xf32>
        %mul3A_557 = arith.mulf %get3A_556, %gather3A_498 : vector<16xf32>
        %swap3A_558 = arith.index_cast %add3A_502 : i32 to index
        %swap3A_559 = arith.constant 80 : index
        %swap3A_560 = tpu.vector_load %arg10[%swap3A_558, %swap3A_559] {strides = array<i32>} : memref<80x128xf32, #tpu.memory_space<vmem>>, vector<1x16xf32>,
        %swap3A_561 = vector.shape_cast %swap3A_560 : vector<1x16xf32> to vector<16xf32>
        %swap3A_562 = vector.shape_cast %mul3A_557 : vector<16xf32> to vector<1x16xf32>
        tpu.vector_store %arg10[%swap3A_558, %swap3A_559], %swap3A_562 {strides = array<i32>} : memref<80x128xf32, #tpu.memory_space<vmem>>, vector<1x16xf32>,
        %get3A_563 = arith.index_cast %add3A_502 : i32 to index
        %get3A_564 = arith.constant 96 : index
        %get3A_565 = tpu.vector_load %arg10[%get3A_563, %get3A_564] {strides = array<i32>} : memref<80x128xf32, #tpu.memory_space<vmem>>, vector<1x16xf32>,
        %get3A_566 = vector.shape_cast %get3A_565 : vector<1x16xf32> to vector<16xf32>
        %mul3A_567 = arith.mulf %get3A_566, %gather3A_498 : vector<16xf32>
        %swap3A_568 = arith.index_cast %add3A_502 : i32 to index
        %swap3A_569 = arith.constant 96 : index
        %swap3A_570 = tpu.vector_load %arg10[%swap3A_568, %swap3A_569] {strides = array<i32>} : memref<80x128xf32, #tpu.memory_space<vmem>>, vector<1x16xf32>,
        %swap3A_571 = vector.shape_cast %swap3A_570 : vector<1x16xf32> to vector<16xf32>
        %swap3A_572 = vector.shape_cast %mul3A_567 : vector<16xf32> to vector<1x16xf32>
        tpu.vector_store %arg10[%swap3A_568, %swap3A_569], %swap3A_572 {strides = array<i32>} : memref<80x128xf32, #tpu.memory_space<vmem>>, vector<1x16xf32>,
        %get3A_573 = arith.index_cast %add3A_502 : i32 to index
        %get3A_574 = arith.constant 112 : index
        %get3A_575 = tpu.vector_load %arg10[%get3A_573, %get3A_574] {strides = array<i32>} : memref<80x128xf32, #tpu.memory_space<vmem>>, vector<1x16xf32>,
        %get3A_576 = vector.shape_cast %get3A_575 : vector<1x16xf32> to vector<16xf32>
        %mul3A_577 = arith.mulf %get3A_576, %gather3A_498 : vector<16xf32>
        %swap3A_578 = arith.index_cast %add3A_502 : i32 to index
        %swap3A_579 = arith.constant 112 : index
        %swap3A_580 = tpu.vector_load %arg10[%swap3A_578, %swap3A_579] {strides = array<i32>} : memref<80x128xf32, #tpu.memory_space<vmem>>, vector<1x16xf32>,
        %swap3A_581 = vector.shape_cast %swap3A_580 : vector<1x16xf32> to vector<16xf32>
        %swap3A_582 = vector.shape_cast %mul3A_577 : vector<16xf32> to vector<1x16xf32>
        tpu.vector_store %arg10[%swap3A_578, %swap3A_579], %swap3A_582 {strides = array<i32>} : memref<80x128xf32, #tpu.memory_space<vmem>>, vector<1x16xf32>,
        %broadcast_in_dim3A_583 = arith.constant 6 : i32
        %broadcast_in_dim3A_584 = vector.broadcast %broadcast_in_dim3A_583 : i32 to vector<16x1xi32>
        %gather3A_585 = vector.shape_cast %broadcast_in_dim3A_584 : vector<16x1xi32> to vector<16xi32>
        %gather3A_586 = tpu.dynamic_gather %get3A_57[%gather3A_585] in [0] : vector<16xf32>, vector<16xi32> -> vector<16xf32>
        %mul3A_587 = arith.constant 16 : i32
        %mul3A_588 = arith.muli %scan3A_53, %mul3A_587 : i32
        %add3A_589 = arith.constant 6 : i32
        %add3A_590 = arith.addi %mul3A_588, %add3A_589 : i32
        %get3A_591 = arith.index_cast %add3A_590 : i32 to index
        %get3A_592 = arith.constant 0 : index
        %get3A_593 = tpu.vector_load %arg10[%get3A_591, %get3A_592] {strides = array<i32>} : memref<80x128xf32, #tpu.memory_space<vmem>>, vector<1x16xf32>,
        %get3A_594 = vector.shape_cast %get3A_593 : vector<1x16xf32> to vector<16xf32>
        %mul3A_595 = arith.mulf %get3A_594, %gather3A_586 : vector<16xf32>
        %swap3A_596 = arith.index_cast %add3A_590 : i32 to index
        %swap3A_597 = arith.constant 0 : index
        %swap3A_598 = tpu.vector_load %arg10[%swap3A_596, %swap3A_597] {strides = array<i32>} : memref<80x128xf32, #tpu.memory_space<vmem>>, vector<1x16xf32>,
        %swap3A_599 = vector.shape_cast %swap3A_598 : vector<1x16xf32> to vector<16xf32>
        %swap3A_600 = vector.shape_cast %mul3A_595 : vector<16xf32> to vector<1x16xf32>
        tpu.vector_store %arg10[%swap3A_596, %swap3A_597], %swap3A_600 {strides = array<i32>} : memref<80x128xf32, #tpu.memory_space<vmem>>, vector<1x16xf32>,
        %get3A_601 = arith.index_cast %add3A_590 : i32 to index
        %get3A_602 = arith.constant 16 : index
        %get3A_603 = tpu.vector_load %arg10[%get3A_601, %get3A_602] {strides = array<i32>} : memref<80x128xf32, #tpu.memory_space<vmem>>, vector<1x16xf32>,
        %get3A_604 = vector.shape_cast %get3A_603 : vector<1x16xf32> to vector<16xf32>
        %mul3A_605 = arith.mulf %get3A_604, %gather3A_586 : vector<16xf32>
        %swap3A_606 = arith.index_cast %add3A_590 : i32 to index
        %swap3A_607 = arith.constant 16 : index
        %swap3A_608 = tpu.vector_load %arg10[%swap3A_606, %swap3A_607] {strides = array<i32>} : memref<80x128xf32, #tpu.memory_space<vmem>>, vector<1x16xf32>,
        %swap3A_609 = vector.shape_cast %swap3A_608 : vector<1x16xf32> to vector<16xf32>
        %swap3A_610 = vector.shape_cast %mul3A_605 : vector<16xf32> to vector<1x16xf32>
        tpu.vector_store %arg10[%swap3A_606, %swap3A_607], %swap3A_610 {strides = array<i32>} : memref<80x128xf32, #tpu.memory_space<vmem>>, vector<1x16xf32>,
        %get3A_611 = arith.index_cast %add3A_590 : i32 to index
        %get3A_612 = arith.constant 32 : index
        %get3A_613 = tpu.vector_load %arg10[%get3A_611, %get3A_612] {strides = array<i32>} : memref<80x128xf32, #tpu.memory_space<vmem>>, vector<1x16xf32>,
        %get3A_614 = vector.shape_cast %get3A_613 : vector<1x16xf32> to vector<16xf32>
        %mul3A_615 = arith.mulf %get3A_614, %gather3A_586 : vector<16xf32>
        %swap3A_616 = arith.index_cast %add3A_590 : i32 to index
        %swap3A_617 = arith.constant 32 : index
        %swap3A_618 = tpu.vector_load %arg10[%swap3A_616, %swap3A_617] {strides = array<i32>} : memref<80x128xf32, #tpu.memory_space<vmem>>, vector<1x16xf32>,
        %swap3A_619 = vector.shape_cast %swap3A_618 : vector<1x16xf32> to vector<16xf32>
        %swap3A_620 = vector.shape_cast %mul3A_615 : vector<16xf32> to vector<1x16xf32>
        tpu.vector_store %arg10[%swap3A_616, %swap3A_617], %swap3A_620 {strides = array<i32>} : memref<80x128xf32, #tpu.memory_space<vmem>>, vector<1x16xf32>,
        %get3A_621 = arith.index_cast %add3A_590 : i32 to index
        %get3A_622 = arith.constant 48 : index
        %get3A_623 = tpu.vector_load %arg10[%get3A_621, %get3A_622] {strides = array<i32>} : memref<80x128xf32, #tpu.memory_space<vmem>>, vector<1x16xf32>,
        %get3A_624 = vector.shape_cast %get3A_623 : vector<1x16xf32> to vector<16xf32>
        %mul3A_625 = arith.mulf %get3A_624, %gather3A_586 : vector<16xf32>
        %swap3A_626 = arith.index_cast %add3A_590 : i32 to index
        %swap3A_627 = arith.constant 48 : index
        %swap3A_628 = tpu.vector_load %arg10[%swap3A_626, %swap3A_627] {strides = array<i32>} : memref<80x128xf32, #tpu.memory_space<vmem>>, vector<1x16xf32>,
        %swap3A_629 = vector.shape_cast %swap3A_628 : vector<1x16xf32> to vector<16xf32>
        %swap3A_630 = vector.shape_cast %mul3A_625 : vector<16xf32> to vector<1x16xf32>
        tpu.vector_store %arg10[%swap3A_626, %swap3A_627], %swap3A_630 {strides = array<i32>} : memref<80x128xf32, #tpu.memory_space<vmem>>, vector<1x16xf32>,
        %get3A_631 = arith.index_cast %add3A_590 : i32 to index
        %get3A_632 = arith.constant 64 : index
        %get3A_633 = tpu.vector_load %arg10[%get3A_631, %get3A_632] {strides = array<i32>} : memref<80x128xf32, #tpu.memory_space<vmem>>, vector<1x16xf32>,
        %get3A_634 = vector.shape_cast %get3A_633 : vector<1x16xf32> to vector<16xf32>
        %mul3A_635 = arith.mulf %get3A_634, %gather3A_586 : vector<16xf32>
        %swap3A_636 = arith.index_cast %add3A_590 : i32 to index
        %swap3A_637 = arith.constant 64 : index
        %swap3A_638 = tpu.vector_load %arg10[%swap3A_636, %swap3A_637] {strides = array<i32>} : memref<80x128xf32, #tpu.memory_space<vmem>>, vector<1x16xf32>,
        %swap3A_639 = vector.shape_cast %swap3A_638 : vector<1x16xf32> to vector<16xf32>
        %swap3A_640 = vector.shape_cast %mul3A_635 : vector<16xf32> to vector<1x16xf32>
        tpu.vector_store %arg10[%swap3A_636, %swap3A_637], %swap3A_640 {strides = array<i32>} : memref<80x128xf32, #tpu.memory_space<vmem>>, vector<1x16xf32>,
        %get3A_641 = arith.index_cast %add3A_590 : i32 to index
        %get3A_642 = arith.constant 80 : index
        %get3A_643 = tpu.vector_load %arg10[%get3A_641, %get3A_642] {strides = array<i32>} : memref<80x128xf32, #tpu.memory_space<vmem>>, vector<1x16xf32>,
        %get3A_644 = vector.shape_cast %get3A_643 : vector<1x16xf32> to vector<16xf32>
        %mul3A_645 = arith.mulf %get3A_644, %gather3A_586 : vector<16xf32>
        %swap3A_646 = arith.index_cast %add3A_590 : i32 to index
        %swap3A_647 = arith.constant 80 : index
        %swap3A_648 = tpu.vector_load %arg10[%swap3A_646, %swap3A_647] {strides = array<i32>} : memref<80x128xf32, #tpu.memory_space<vmem>>, vector<1x16xf32>,
        %swap3A_649 = vector.shape_cast %swap3A_648 : vector<1x16xf32> to vector<16xf32>
        %swap3A_650 = vector.shape_cast %mul3A_645 : vector<16xf32> to vector<1x16xf32>
        tpu.vector_store %arg10[%swap3A_646, %swap3A_647], %swap3A_650 {strides = array<i32>} : memref<80x128xf32, #tpu.memory_space<vmem>>, vector<1x16xf32>,
        %get3A_651 = arith.index_cast %add3A_590 : i32 to index
        %get3A_652 = arith.constant 96 : index
        %get3A_653 = tpu.vector_load %arg10[%get3A_651, %get3A_652] {strides = array<i32>} : memref<80x128xf32, #tpu.memory_space<vmem>>, vector<1x16xf32>,
        %get3A_654 = vector.shape_cast %get3A_653 : vector<1x16xf32> to vector<16xf32>
        %mul3A_655 = arith.mulf %get3A_654, %gather3A_586 : vector<16xf32>
        %swap3A_656 = arith.index_cast %add3A_590 : i32 to index
        %swap3A_657 = arith.constant 96 : index
        %swap3A_658 = tpu.vector_load %arg10[%swap3A_656, %swap3A_657] {strides = array<i32>} : memref<80x128xf32, #tpu.memory_space<vmem>>, vector<1x16xf32>,
        %swap3A_659 = vector.shape_cast %swap3A_658 : vector<1x16xf32> to vector<16xf32>
        %swap3A_660 = vector.shape_cast %mul3A_655 : vector<16xf32> to vector<1x16xf32>
        tpu.vector_store %arg10[%swap3A_656, %swap3A_657], %swap3A_660 {strides = array<i32>} : memref<80x128xf32, #tpu.memory_space<vmem>>, vector<1x16xf32>,
        %get3A_661 = arith.index_cast %add3A_590 : i32 to index
        %get3A_662 = arith.constant 112 : index
        %get3A_663 = tpu.vector_load %arg10[%get3A_661, %get3A_662] {strides = array<i32>} : memref<80x128xf32, #tpu.memory_space<vmem>>, vector<1x16xf32>,
        %get3A_664 = vector.shape_cast %get3A_663 : vector<1x16xf32> to vector<16xf32>
        %mul3A_665 = arith.mulf %get3A_664, %gather3A_586 : vector<16xf32>
        %swap3A_666 = arith.index_cast %add3A_590 : i32 to index
        %swap3A_667 = arith.constant 112 : index
        %swap3A_668 = tpu.vector_load %arg10[%swap3A_666, %swap3A_667] {strides = array<i32>} : memref<80x128xf32, #tpu.memory_space<vmem>>, vector<1x16xf32>,
        %swap3A_669 = vector.shape_cast %swap3A_668 : vector<1x16xf32> to vector<16xf32>
        %swap3A_670 = vector.shape_cast %mul3A_665 : vector<16xf32> to vector<1x16xf32>
        tpu.vector_store %arg10[%swap3A_666, %swap3A_667], %swap3A_670 {strides = array<i32>} : memref<80x128xf32, #tpu.memory_space<vmem>>, vector<1x16xf32>,
        %broadcast_in_dim3A_671 = arith.constant 7 : i32
        %broadcast_in_dim3A_672 = vector.broadcast %broadcast_in_dim3A_671 : i32 to vector<16x1xi32>
        %gather3A_673 = vector.shape_cast %broadcast_in_dim3A_672 : vector<16x1xi32> to vector<16xi32>
        %gather3A_674 = tpu.dynamic_gather %get3A_57[%gather3A_673] in [0] : vector<16xf32>, vector<16xi32> -> vector<16xf32>
        %mul3A_675 = arith.constant 16 : i32
        %mul3A_676 = arith.muli %scan3A_53, %mul3A_675 : i32
        %add3A_677 = arith.constant 7 : i32
        %add3A_678 = arith.addi %mul3A_676, %add3A_677 : i32
        %get3A_679 = arith.index_cast %add3A_678 : i32 to index
        %get3A_680 = arith.constant 0 : index
        %get3A_681 = tpu.vector_load %arg10[%get3A_679, %get3A_680] {strides = array<i32>} : memref<80x128xf32, #tpu.memory_space<vmem>>, vector<1x16xf32>,
        %get3A_682 = vector.shape_cast %get3A_681 : vector<1x16xf32> to vector<16xf32>
        %mul3A_683 = arith.mulf %get3A_682, %gather3A_674 : vector<16xf32>
        %swap3A_684 = arith.index_cast %add3A_678 : i32 to index
        %swap3A_685 = arith.constant 0 : index
        %swap3A_686 = tpu.vector_load %arg10[%swap3A_684, %swap3A_685] {strides = array<i32>} : memref<80x128xf32, #tpu.memory_space<vmem>>, vector<1x16xf32>,
        %swap3A_687 = vector.shape_cast %swap3A_686 : vector<1x16xf32> to vector<16xf32>
        %swap3A_688 = vector.shape_cast %mul3A_683 : vector<16xf32> to vector<1x16xf32>
        tpu.vector_store %arg10[%swap3A_684, %swap3A_685], %swap3A_688 {strides = array<i32>} : memref<80x128xf32, #tpu.memory_space<vmem>>, vector<1x16xf32>,
        %get3A_689 = arith.index_cast %add3A_678 : i32 to index
        %get3A_690 = arith.constant 16 : index
        %get3A_691 = tpu.vector_load %arg10[%get3A_689, %get3A_690] {strides = array<i32>} : memref<80x128xf32, #tpu.memory_space<vmem>>, vector<1x16xf32>,
        %get3A_692 = vector.shape_cast %get3A_691 : vector<1x16xf32> to vector<16xf32>
        %mul3A_693 = arith.mulf %get3A_692, %gather3A_674 : vector<16xf32>
        %swap3A_694 = arith.index_cast %add3A_678 : i32 to index
        %swap3A_695 = arith.constant 16 : index
        %swap3A_696 = tpu.vector_load %arg10[%swap3A_694, %swap3A_695] {strides = array<i32>} : memref<80x128xf32, #tpu.memory_space<vmem>>, vector<1x16xf32>,
        %swap3A_697 = vector.shape_cast %swap3A_696 : vector<1x16xf32> to vector<16xf32>
        %swap3A_698 = vector.shape_cast %mul3A_693 : vector<16xf32> to vector<1x16xf32>
        tpu.vector_store %arg10[%swap3A_694, %swap3A_695], %swap3A_698 {strides = array<i32>} : memref<80x128xf32, #tpu.memory_space<vmem>>, vector<1x16xf32>,
        %get3A_699 = arith.index_cast %add3A_678 : i32 to index
        %get3A_700 = arith.constant 32 : index
        %get3A_701 = tpu.vector_load %arg10[%get3A_699, %get3A_700] {strides = array<i32>} : memref<80x128xf32, #tpu.memory_space<vmem>>, vector<1x16xf32>,
        %get3A_702 = vector.shape_cast %get3A_701 : vector<1x16xf32> to vector<16xf32>
        %mul3A_703 = arith.mulf %get3A_702, %gather3A_674 : vector<16xf32>
        %swap3A_704 = arith.index_cast %add3A_678 : i32 to index
        %swap3A_705 = arith.constant 32 : index
        %swap3A_706 = tpu.vector_load %arg10[%swap3A_704, %swap3A_705] {strides = array<i32>} : memref<80x128xf32, #tpu.memory_space<vmem>>, vector<1x16xf32>,
        %swap3A_707 = vector.shape_cast %swap3A_706 : vector<1x16xf32> to vector<16xf32>
        %swap3A_708 = vector.shape_cast %mul3A_703 : vector<16xf32> to vector<1x16xf32>
        tpu.vector_store %arg10[%swap3A_704, %swap3A_705], %swap3A_708 {strides = array<i32>} : memref<80x128xf32, #tpu.memory_space<vmem>>, vector<1x16xf32>,
        %get3A_709 = arith.index_cast %add3A_678 : i32 to index
        %get3A_710 = arith.constant 48 : index
        %get3A_711 = tpu.vector_load %arg10[%get3A_709, %get3A_710] {strides = array<i32>} : memref<80x128xf32, #tpu.memory_space<vmem>>, vector<1x16xf32>,
        %get3A_712 = vector.shape_cast %get3A_711 : vector<1x16xf32> to vector<16xf32>
        %mul3A_713 = arith.mulf %get3A_712, %gather3A_674 : vector<16xf32>
        %swap3A_714 = arith.index_cast %add3A_678 : i32 to index
        %swap3A_715 = arith.constant 48 : index
        %swap3A_716 = tpu.vector_load %arg10[%swap3A_714, %swap3A_715] {strides = array<i32>} : memref<80x128xf32, #tpu.memory_space<vmem>>, vector<1x16xf32>,
        %swap3A_717 = vector.shape_cast %swap3A_716 : vector<1x16xf32> to vector<16xf32>
        %swap3A_718 = vector.shape_cast %mul3A_713 : vector<16xf32> to vector<1x16xf32>
        tpu.vector_store %arg10[%swap3A_714, %swap3A_715], %swap3A_718 {strides = array<i32>} : memref<80x128xf32, #tpu.memory_space<vmem>>, vector<1x16xf32>,
        %get3A_719 = arith.index_cast %add3A_678 : i32 to index
        %get3A_720 = arith.constant 64 : index
        %get3A_721 = tpu.vector_load %arg10[%get3A_719, %get3A_720] {strides = array<i32>} : memref<80x128xf32, #tpu.memory_space<vmem>>, vector<1x16xf32>,
        %get3A_722 = vector.shape_cast %get3A_721 : vector<1x16xf32> to vector<16xf32>
        %mul3A_723 = arith.mulf %get3A_722, %gather3A_674 : vector<16xf32>
        %swap3A_724 = arith.index_cast %add3A_678 : i32 to index
        %swap3A_725 = arith.constant 64 : index
        %swap3A_726 = tpu.vector_load %arg10[%swap3A_724, %swap3A_725] {strides = array<i32>} : memref<80x128xf32, #tpu.memory_space<vmem>>, vector<1x16xf32>,
        %swap3A_727 = vector.shape_cast %swap3A_726 : vector<1x16xf32> to vector<16xf32>
        %swap3A_728 = vector.shape_cast %mul3A_723 : vector<16xf32> to vector<1x16xf32>
        tpu.vector_store %arg10[%swap3A_724, %swap3A_725], %swap3A_728 {strides = array<i32>} : memref<80x128xf32, #tpu.memory_space<vmem>>, vector<1x16xf32>,
        %get3A_729 = arith.index_cast %add3A_678 : i32 to index
        %get3A_730 = arith.constant 80 : index
        %get3A_731 = tpu.vector_load %arg10[%get3A_729, %get3A_730] {strides = array<i32>} : memref<80x128xf32, #tpu.memory_space<vmem>>, vector<1x16xf32>,
        %get3A_732 = vector.shape_cast %get3A_731 : vector<1x16xf32> to vector<16xf32>
        %mul3A_733 = arith.mulf %get3A_732, %gather3A_674 : vector<16xf32>
        %swap3A_734 = arith.index_cast %add3A_678 : i32 to index
        %swap3A_735 = arith.constant 80 : index
        %swap3A_736 = tpu.vector_load %arg10[%swap3A_734, %swap3A_735] {strides = array<i32>} : memref<80x128xf32, #tpu.memory_space<vmem>>, vector<1x16xf32>,
        %swap3A_737 = vector.shape_cast %swap3A_736 : vector<1x16xf32> to vector<16xf32>
        %swap3A_738 = vector.shape_cast %mul3A_733 : vector<16xf32> to vector<1x16xf32>
        tpu.vector_store %arg10[%swap3A_734, %swap3A_735], %swap3A_738 {strides = array<i32>} : memref<80x128xf32, #tpu.memory_space<vmem>>, vector<1x16xf32>,
        %get3A_739 = arith.index_cast %add3A_678 : i32 to index
        %get3A_740 = arith.constant 96 : index
        %get3A_741 = tpu.vector_load %arg10[%get3A_739, %get3A_740] {strides = array<i32>} : memref<80x128xf32, #tpu.memory_space<vmem>>, vector<1x16xf32>,
        %get3A_742 = vector.shape_cast %get3A_741 : vector<1x16xf32> to vector<16xf32>
        %mul3A_743 = arith.mulf %get3A_742, %gather3A_674 : vector<16xf32>
        %swap3A_744 = arith.index_cast %add3A_678 : i32 to index
        %swap3A_745 = arith.constant 96 : index
        %swap3A_746 = tpu.vector_load %arg10[%swap3A_744, %swap3A_745] {strides = array<i32>} : memref<80x128xf32, #tpu.memory_space<vmem>>, vector<1x16xf32>,
        %swap3A_747 = vector.shape_cast %swap3A_746 : vector<1x16xf32> to vector<16xf32>
        %swap3A_748 = vector.shape_cast %mul3A_743 : vector<16xf32> to vector<1x16xf32>
        tpu.vector_store %arg10[%swap3A_744, %swap3A_745], %swap3A_748 {strides = array<i32>} : memref<80x128xf32, #tpu.memory_space<vmem>>, vector<1x16xf32>,
        %get3A_749 = arith.index_cast %add3A_678 : i32 to index
        %get3A_750 = arith.constant 112 : index
        %get3A_751 = tpu.vector_load %arg10[%get3A_749, %get3A_750] {strides = array<i32>} : memref<80x128xf32, #tpu.memory_space<vmem>>, vector<1x16xf32>,
        %get3A_752 = vector.shape_cast %get3A_751 : vector<1x16xf32> to vector<16xf32>
        %mul3A_753 = arith.mulf %get3A_752, %gather3A_674 : vector<16xf32>
        %swap3A_754 = arith.index_cast %add3A_678 : i32 to index
        %swap3A_755 = arith.constant 112 : index
        %swap3A_756 = tpu.vector_load %arg10[%swap3A_754, %swap3A_755] {strides = array<i32>} : memref<80x128xf32, #tpu.memory_space<vmem>>, vector<1x16xf32>,
        %swap3A_757 = vector.shape_cast %swap3A_756 : vector<1x16xf32> to vector<16xf32>
        %swap3A_758 = vector.shape_cast %mul3A_753 : vector<16xf32> to vector<1x16xf32>
        tpu.vector_store %arg10[%swap3A_754, %swap3A_755], %swap3A_758 {strides = array<i32>} : memref<80x128xf32, #tpu.memory_space<vmem>>, vector<1x16xf32>,
        %broadcast_in_dim3A_759 = arith.constant 8 : i32
        %broadcast_in_dim3A_760 = vector.broadcast %broadcast_in_dim3A_759 : i32 to vector<16x1xi32>
        %gather3A_761 = vector.shape_cast %broadcast_in_dim3A_760 : vector<16x1xi32> to vector<16xi32>
        %gather3A_762 = tpu.dynamic_gather %get3A_57[%gather3A_761] in [0] : vector<16xf32>, vector<16xi32> -> vector<16xf32>
        %mul3A_763 = arith.constant 16 : i32
        %mul3A_764 = arith.muli %scan3A_53, %mul3A_763 : i32
        %add3A_765 = arith.constant 8 : i32
        %add3A_766 = arith.addi %mul3A_764, %add3A_765 : i32
        %get3A_767 = arith.index_cast %add3A_766 : i32 to index
        %get3A_768 = arith.constant 0 : index
        %get3A_769 = tpu.vector_load %arg10[%get3A_767, %get3A_768] {strides = array<i32>} : memref<80x128xf32, #tpu.memory_space<vmem>>, vector<1x16xf32>,
        %get3A_770 = vector.shape_cast %get3A_769 : vector<1x16xf32> to vector<16xf32>
        %mul3A_771 = arith.mulf %get3A_770, %gather3A_762 : vector<16xf32>
        %swap3A_772 = arith.index_cast %add3A_766 : i32 to index
        %swap3A_773 = arith.constant 0 : index
        %swap3A_774 = tpu.vector_load %arg10[%swap3A_772, %swap3A_773] {strides = array<i32>} : memref<80x128xf32, #tpu.memory_space<vmem>>, vector<1x16xf32>,
        %swap3A_775 = vector.shape_cast %swap3A_774 : vector<1x16xf32> to vector<16xf32>
        %swap3A_776 = vector.shape_cast %mul3A_771 : vector<16xf32> to vector<1x16xf32>
        tpu.vector_store %arg10[%swap3A_772, %swap3A_773], %swap3A_776 {strides = array<i32>} : memref<80x128xf32, #tpu.memory_space<vmem>>, vector<1x16xf32>,
        %get3A_777 = arith.index_cast %add3A_766 : i32 to index
        %get3A_778 = arith.constant 16 : index
        %get3A_779 = tpu.vector_load %arg10[%get3A_777, %get3A_778] {strides = array<i32>} : memref<80x128xf32, #tpu.memory_space<vmem>>, vector<1x16xf32>,
        %get3A_780 = vector.shape_cast %get3A_779 : vector<1x16xf32> to vector<16xf32>
        %mul3A_781 = arith.mulf %get3A_780, %gather3A_762 : vector<16xf32>
        %swap3A_782 = arith.index_cast %add3A_766 : i32 to index
        %swap3A_783 = arith.constant 16 : index
        %swap3A_784 = tpu.vector_load %arg10[%swap3A_782, %swap3A_783] {strides = array<i32>} : memref<80x128xf32, #tpu.memory_space<vmem>>, vector<1x16xf32>,
        %swap3A_785 = vector.shape_cast %swap3A_784 : vector<1x16xf32> to vector<16xf32>
        %swap3A_786 = vector.shape_cast %mul3A_781 : vector<16xf32> to vector<1x16xf32>
        tpu.vector_store %arg10[%swap3A_782, %swap3A_783], %swap3A_786 {strides = array<i32>} : memref<80x128xf32, #tpu.memory_space<vmem>>, vector<1x16xf32>,
        %get3A_787 = arith.index_cast %add3A_766 : i32 to index
        %get3A_788 = arith.constant 32 : index
        %get3A_789 = tpu.vector_load %arg10[%get3A_787, %get3A_788] {strides = array<i32>} : memref<80x128xf32, #tpu.memory_space<vmem>>, vector<1x16xf32>,
        %get3A_790 = vector.shape_cast %get3A_789 : vector<1x16xf32> to vector<16xf32>
        %mul3A_791 = arith.mulf %get3A_790, %gather3A_762 : vector<16xf32>
        %swap3A_792 = arith.index_cast %add3A_766 : i32 to index
        %swap3A_793 = arith.constant 32 : index
        %swap3A_794 = tpu.vector_load %arg10[%swap3A_792, %swap3A_793] {strides = array<i32>} : memref<80x128xf32, #tpu.memory_space<vmem>>, vector<1x16xf32>,
        %swap3A_795 = vector.shape_cast %swap3A_794 : vector<1x16xf32> to vector<16xf32>
        %swap3A_796 = vector.shape_cast %mul3A_791 : vector<16xf32> to vector<1x16xf32>
        tpu.vector_store %arg10[%swap3A_792, %swap3A_793], %swap3A_796 {strides = array<i32>} : memref<80x128xf32, #tpu.memory_space<vmem>>, vector<1x16xf32>,
        %get3A_797 = arith.index_cast %add3A_766 : i32 to index
        %get3A_798 = arith.constant 48 : index
        %get3A_799 = tpu.vector_load %arg10[%get3A_797, %get3A_798] {strides = array<i32>} : memref<80x128xf32, #tpu.memory_space<vmem>>, vector<1x16xf32>,
        %get3A_800 = vector.shape_cast %get3A_799 : vector<1x16xf32> to vector<16xf32>
        %mul3A_801 = arith.mulf %get3A_800, %gather3A_762 : vector<16xf32>
        %swap3A_802 = arith.index_cast %add3A_766 : i32 to index
        %swap3A_803 = arith.constant 48 : index
        %swap3A_804 = tpu.vector_load %arg10[%swap3A_802, %swap3A_803] {strides = array<i32>} : memref<80x128xf32, #tpu.memory_space<vmem>>, vector<1x16xf32>,
        %swap3A_805 = vector.shape_cast %swap3A_804 : vector<1x16xf32> to vector<16xf32>
        %swap3A_806 = vector.shape_cast %mul3A_801 : vector<16xf32> to vector<1x16xf32>
        tpu.vector_store %arg10[%swap3A_802, %swap3A_803], %swap3A_806 {strides = array<i32>} : memref<80x128xf32, #tpu.memory_space<vmem>>, vector<1x16xf32>,
        %get3A_807 = arith.index_cast %add3A_766 : i32 to index
        %get3A_808 = arith.constant 64 : index
        %get3A_809 = tpu.vector_load %arg10[%get3A_807, %get3A_808] {strides = array<i32>} : memref<80x128xf32, #tpu.memory_space<vmem>>, vector<1x16xf32>,
        %get3A_810 = vector.shape_cast %get3A_809 : vector<1x16xf32> to vector<16xf32>
        %mul3A_811 = arith.mulf %get3A_810, %gather3A_762 : vector<16xf32>
        %swap3A_812 = arith.index_cast %add3A_766 : i32 to index
        %swap3A_813 = arith.constant 64 : index
        %swap3A_814 = tpu.vector_load %arg10[%swap3A_812, %swap3A_813] {strides = array<i32>} : memref<80x128xf32, #tpu.memory_space<vmem>>, vector<1x16xf32>,
        %swap3A_815 = vector.shape_cast %swap3A_814 : vector<1x16xf32> to vector<16xf32>
        %swap3A_816 = vector.shape_cast %mul3A_811 : vector<16xf32> to vector<1x16xf32>
        tpu.vector_store %arg10[%swap3A_812, %swap3A_813], %swap3A_816 {strides = array<i32>} : memref<80x128xf32, #tpu.memory_space<vmem>>, vector<1x16xf32>,
        %get3A_817 = arith.index_cast %add3A_766 : i32 to index
        %get3A_818 = arith.constant 80 : index
        %get3A_819 = tpu.vector_load %arg10[%get3A_817, %get3A_818] {strides = array<i32>} : memref<80x128xf32, #tpu.memory_space<vmem>>, vector<1x16xf32>,
        %get3A_820 = vector.shape_cast %get3A_819 : vector<1x16xf32> to vector<16xf32>
        %mul3A_821 = arith.mulf %get3A_820, %gather3A_762 : vector<16xf32>
        %swap3A_822 = arith.index_cast %add3A_766 : i32 to index
        %swap3A_823 = arith.constant 80 : index
        %swap3A_824 = tpu.vector_load %arg10[%swap3A_822, %swap3A_823] {strides = array<i32>} : memref<80x128xf32, #tpu.memory_space<vmem>>, vector<1x16xf32>,
        %swap3A_825 = vector.shape_cast %swap3A_824 : vector<1x16xf32> to vector<16xf32>
        %swap3A_826 = vector.shape_cast %mul3A_821 : vector<16xf32> to vector<1x16xf32>
        tpu.vector_store %arg10[%swap3A_822, %swap3A_823], %swap3A_826 {strides = array<i32>} : memref<80x128xf32, #tpu.memory_space<vmem>>, vector<1x16xf32>,
        %get3A_827 = arith.index_cast %add3A_766 : i32 to index
        %get3A_828 = arith.constant 96 : index
        %get3A_829 = tpu.vector_load %arg10[%get3A_827, %get3A_828] {strides = array<i32>} : memref<80x128xf32, #tpu.memory_space<vmem>>, vector<1x16xf32>,
        %get3A_830 = vector.shape_cast %get3A_829 : vector<1x16xf32> to vector<16xf32>
        %mul3A_831 = arith.mulf %get3A_830, %gather3A_762 : vector<16xf32>
        %swap3A_832 = arith.index_cast %add3A_766 : i32 to index
        %swap3A_833 = arith.constant 96 : index
        %swap3A_834 = tpu.vector_load %arg10[%swap3A_832, %swap3A_833] {strides = array<i32>} : memref<80x128xf32, #tpu.memory_space<vmem>>, vector<1x16xf32>,
        %swap3A_835 = vector.shape_cast %swap3A_834 : vector<1x16xf32> to vector<16xf32>
        %swap3A_836 = vector.shape_cast %mul3A_831 : vector<16xf32> to vector<1x16xf32>
        tpu.vector_store %arg10[%swap3A_832, %swap3A_833], %swap3A_836 {strides = array<i32>} : memref<80x128xf32, #tpu.memory_space<vmem>>, vector<1x16xf32>,
        %get3A_837 = arith.index_cast %add3A_766 : i32 to index
        %get3A_838 = arith.constant 112 : index
        %get3A_839 = tpu.vector_load %arg10[%get3A_837, %get3A_838] {strides = array<i32>} : memref<80x128xf32, #tpu.memory_space<vmem>>, vector<1x16xf32>,
        %get3A_840 = vector.shape_cast %get3A_839 : vector<1x16xf32> to vector<16xf32>
        %mul3A_841 = arith.mulf %get3A_840, %gather3A_762 : vector<16xf32>
        %swap3A_842 = arith.index_cast %add3A_766 : i32 to index
        %swap3A_843 = arith.constant 112 : index
        %swap3A_844 = tpu.vector_load %arg10[%swap3A_842, %swap3A_843] {strides = array<i32>} : memref<80x128xf32, #tpu.memory_space<vmem>>, vector<1x16xf32>,
        %swap3A_845 = vector.shape_cast %swap3A_844 : vector<1x16xf32> to vector<16xf32>
        %swap3A_846 = vector.shape_cast %mul3A_841 : vector<16xf32> to vector<1x16xf32>
        tpu.vector_store %arg10[%swap3A_842, %swap3A_843], %swap3A_846 {strides = array<i32>} : memref<80x128xf32, #tpu.memory_space<vmem>>, vector<1x16xf32>,
        %broadcast_in_dim3A_847 = arith.constant 9 : i32
        %broadcast_in_dim3A_848 = vector.broadcast %broadcast_in_dim3A_847 : i32 to vector<16x1xi32>
        %gather3A_849 = vector.shape_cast %broadcast_in_dim3A_848 : vector<16x1xi32> to vector<16xi32>
        %gather3A_850 = tpu.dynamic_gather %get3A_57[%gather3A_849] in [0] : vector<16xf32>, vector<16xi32> -> vector<16xf32>
        %mul3A_851 = arith.constant 16 : i32
        %mul3A_852 = arith.muli %scan3A_53, %mul3A_851 : i32
        %add3A_853 = arith.constant 9 : i32
        %add3A_854 = arith.addi %mul3A_852, %add3A_853 : i32
        %get3A_855 = arith.index_cast %add3A_854 : i32 to index
        %get3A_856 = arith.constant 0 : index
        %get3A_857 = tpu.vector_load %arg10[%get3A_855, %get3A_856] {strides = array<i32>} : memref<80x128xf32, #tpu.memory_space<vmem>>, vector<1x16xf32>,
        %get3A_858 = vector.shape_cast %get3A_857 : vector<1x16xf32> to vector<16xf32>
        %mul3A_859 = arith.mulf %get3A_858, %gather3A_850 : vector<16xf32>
        %swap3A_860 = arith.index_cast %add3A_854 : i32 to index
        %swap3A_861 = arith.constant 0 : index
        %swap3A_862 = tpu.vector_load %arg10[%swap3A_860, %swap3A_861] {strides = array<i32>} : memref<80x128xf32, #tpu.memory_space<vmem>>, vector<1x16xf32>,
        %swap3A_863 = vector.shape_cast %swap3A_862 : vector<1x16xf32> to vector<16xf32>
        %swap3A_864 = vector.shape_cast %mul3A_859 : vector<16xf32> to vector<1x16xf32>
        tpu.vector_store %arg10[%swap3A_860, %swap3A_861], %swap3A_864 {strides = array<i32>} : memref<80x128xf32, #tpu.memory_space<vmem>>, vector<1x16xf32>,
        %get3A_865 = arith.index_cast %add3A_854 : i32 to index
        %get3A_866 = arith.constant 16 : index
        %get3A_867 = tpu.vector_load %arg10[%get3A_865, %get3A_866] {strides = array<i32>} : memref<80x128xf32, #tpu.memory_space<vmem>>, vector<1x16xf32>,
        %get3A_868 = vector.shape_cast %get3A_867 : vector<1x16xf32> to vector<16xf32>
        %mul3A_869 = arith.mulf %get3A_868, %gather3A_850 : vector<16xf32>
        %swap3A_870 = arith.index_cast %add3A_854 : i32 to index
        %swap3A_871 = arith.constant 16 : index
        %swap3A_872 = tpu.vector_load %arg10[%swap3A_870, %swap3A_871] {strides = array<i32>} : memref<80x128xf32, #tpu.memory_space<vmem>>, vector<1x16xf32>,
        %swap3A_873 = vector.shape_cast %swap3A_872 : vector<1x16xf32> to vector<16xf32>
        %swap3A_874 = vector.shape_cast %mul3A_869 : vector<16xf32> to vector<1x16xf32>
        tpu.vector_store %arg10[%swap3A_870, %swap3A_871], %swap3A_874 {strides = array<i32>} : memref<80x128xf32, #tpu.memory_space<vmem>>, vector<1x16xf32>,
        %get3A_875 = arith.index_cast %add3A_854 : i32 to index
        %get3A_876 = arith.constant 32 : index
        %get3A_877 = tpu.vector_load %arg10[%get3A_875, %get3A_876] {strides = array<i32>} : memref<80x128xf32, #tpu.memory_space<vmem>>, vector<1x16xf32>,
        %get3A_878 = vector.shape_cast %get3A_877 : vector<1x16xf32> to vector<16xf32>
        %mul3A_879 = arith.mulf %get3A_878, %gather3A_850 : vector<16xf32>
        %swap3A_880 = arith.index_cast %add3A_854 : i32 to index
        %swap3A_881 = arith.constant 32 : index
        %swap3A_882 = tpu.vector_load %arg10[%swap3A_880, %swap3A_881] {strides = array<i32>} : memref<80x128xf32, #tpu.memory_space<vmem>>, vector<1x16xf32>,
        %swap3A_883 = vector.shape_cast %swap3A_882 : vector<1x16xf32> to vector<16xf32>
        %swap3A_884 = vector.shape_cast %mul3A_879 : vector<16xf32> to vector<1x16xf32>
        tpu.vector_store %arg10[%swap3A_880, %swap3A_881], %swap3A_884 {strides = array<i32>} : memref<80x128xf32, #tpu.memory_space<vmem>>, vector<1x16xf32>,
        %get3A_885 = arith.index_cast %add3A_854 : i32 to index
        %get3A_886 = arith.constant 48 : index
        %get3A_887 = tpu.vector_load %arg10[%get3A_885, %get3A_886] {strides = array<i32>} : memref<80x128xf32, #tpu.memory_space<vmem>>, vector<1x16xf32>,
        %get3A_888 = vector.shape_cast %get3A_887 : vector<1x16xf32> to vector<16xf32>
        %mul3A_889 = arith.mulf %get3A_888, %gather3A_850 : vector<16xf32>
        %swap3A_890 = arith.index_cast %add3A_854 : i32 to index
        %swap3A_891 = arith.constant 48 : index
        %swap3A_892 = tpu.vector_load %arg10[%swap3A_890, %swap3A_891] {strides = array<i32>} : memref<80x128xf32, #tpu.memory_space<vmem>>, vector<1x16xf32>,
        %swap3A_893 = vector.shape_cast %swap3A_892 : vector<1x16xf32> to vector<16xf32>
        %swap3A_894 = vector.shape_cast %mul3A_889 : vector<16xf32> to vector<1x16xf32>
        tpu.vector_store %arg10[%swap3A_890, %swap3A_891], %swap3A_894 {strides = array<i32>} : memref<80x128xf32, #tpu.memory_space<vmem>>, vector<1x16xf32>,
        %get3A_895 = arith.index_cast %add3A_854 : i32 to index
        %get3A_896 = arith.constant 64 : index
        %get3A_897 = tpu.vector_load %arg10[%get3A_895, %get3A_896] {strides = array<i32>} : memref<80x128xf32, #tpu.memory_space<vmem>>, vector<1x16xf32>,
        %get3A_898 = vector.shape_cast %get3A_897 : vector<1x16xf32> to vector<16xf32>
        %mul3A_899 = arith.mulf %get3A_898, %gather3A_850 : vector<16xf32>
        %swap3A_900 = arith.index_cast %add3A_854 : i32 to index
        %swap3A_901 = arith.constant 64 : index
        %swap3A_902 = tpu.vector_load %arg10[%swap3A_900, %swap3A_901] {strides = array<i32>} : memref<80x128xf32, #tpu.memory_space<vmem>>, vector<1x16xf32>,
        %swap3A_903 = vector.shape_cast %swap3A_902 : vector<1x16xf32> to vector<16xf32>
        %swap3A_904 = vector.shape_cast %mul3A_899 : vector<16xf32> to vector<1x16xf32>
        tpu.vector_store %arg10[%swap3A_900, %swap3A_901], %swap3A_904 {strides = array<i32>} : memref<80x128xf32, #tpu.memory_space<vmem>>, vector<1x16xf32>,
        %get3A_905 = arith.index_cast %add3A_854 : i32 to index
        %get3A_906 = arith.constant 80 : index
        %get3A_907 = tpu.vector_load %arg10[%get3A_905, %get3A_906] {strides = array<i32>} : memref<80x128xf32, #tpu.memory_space<vmem>>, vector<1x16xf32>,
        %get3A_908 = vector.shape_cast %get3A_907 : vector<1x16xf32> to vector<16xf32>
        %mul3A_909 = arith.mulf %get3A_908, %gather3A_850 : vector<16xf32>
        %swap3A_910 = arith.index_cast %add3A_854 : i32 to index
        %swap3A_911 = arith.constant 80 : index
        %swap3A_912 = tpu.vector_load %arg10[%swap3A_910, %swap3A_911] {strides = array<i32>} : memref<80x128xf32, #tpu.memory_space<vmem>>, vector<1x16xf32>,
        %swap3A_913 = vector.shape_cast %swap3A_912 : vector<1x16xf32> to vector<16xf32>
        %swap3A_914 = vector.shape_cast %mul3A_909 : vector<16xf32> to vector<1x16xf32>
        tpu.vector_store %arg10[%swap3A_910, %swap3A_911], %swap3A_914 {strides = array<i32>} : memref<80x128xf32, #tpu.memory_space<vmem>>, vector<1x16xf32>,
        %get3A_915 = arith.index_cast %add3A_854 : i32 to index
        %get3A_916 = arith.constant 96 : index
        %get3A_917 = tpu.vector_load %arg10[%get3A_915, %get3A_916] {strides = array<i32>} : memref<80x128xf32, #tpu.memory_space<vmem>>, vector<1x16xf32>,
        %get3A_918 = vector.shape_cast %get3A_917 : vector<1x16xf32> to vector<16xf32>
        %mul3A_919 = arith.mulf %get3A_918, %gather3A_850 : vector<16xf32>
        %swap3A_920 = arith.index_cast %add3A_854 : i32 to index
        %swap3A_921 = arith.constant 96 : index
        %swap3A_922 = tpu.vector_load %arg10[%swap3A_920, %swap3A_921] {strides = array<i32>} : memref<80x128xf32, #tpu.memory_space<vmem>>, vector<1x16xf32>,
        %swap3A_923 = vector.shape_cast %swap3A_922 : vector<1x16xf32> to vector<16xf32>
        %swap3A_924 = vector.shape_cast %mul3A_919 : vector<16xf32> to vector<1x16xf32>
        tpu.vector_store %arg10[%swap3A_920, %swap3A_921], %swap3A_924 {strides = array<i32>} : memref<80x128xf32, #tpu.memory_space<vmem>>, vector<1x16xf32>,
        %get3A_925 = arith.index_cast %add3A_854 : i32 to index
        %get3A_926 = arith.constant 112 : index
        %get3A_927 = tpu.vector_load %arg10[%get3A_925, %get3A_926] {strides = array<i32>} : memref<80x128xf32, #tpu.memory_space<vmem>>, vector<1x16xf32>,
        %get3A_928 = vector.shape_cast %get3A_927 : vector<1x16xf32> to vector<16xf32>
        %mul3A_929 = arith.mulf %get3A_928, %gather3A_850 : vector<16xf32>
        %swap3A_930 = arith.index_cast %add3A_854 : i32 to index
        %swap3A_931 = arith.constant 112 : index
        %swap3A_932 = tpu.vector_load %arg10[%swap3A_930, %swap3A_931] {strides = array<i32>} : memref<80x128xf32, #tpu.memory_space<vmem>>, vector<1x16xf32>,
        %swap3A_933 = vector.shape_cast %swap3A_932 : vector<1x16xf32> to vector<16xf32>
        %swap3A_934 = vector.shape_cast %mul3A_929 : vector<16xf32> to vector<1x16xf32>
        tpu.vector_store %arg10[%swap3A_930, %swap3A_931], %swap3A_934 {strides = array<i32>} : memref<80x128xf32, #tpu.memory_space<vmem>>, vector<1x16xf32>,
        %broadcast_in_dim3A_935 = arith.constant 10 : i32
        %broadcast_in_dim3A_936 = vector.broadcast %broadcast_in_dim3A_935 : i32 to vector<16x1xi32>
        %gather3A_937 = vector.shape_cast %broadcast_in_dim3A_936 : vector<16x1xi32> to vector<16xi32>
        %gather3A_938 = tpu.dynamic_gather %get3A_57[%gather3A_937] in [0] : vector<16xf32>, vector<16xi32> -> vector<16xf32>
        %mul3A_939 = arith.constant 16 : i32
        %mul3A_940 = arith.muli %scan3A_53, %mul3A_939 : i32
        %add3A_941 = arith.constant 10 : i32
        %add3A_942 = arith.addi %mul3A_940, %add3A_941 : i32
        %get3A_943 = arith.index_cast %add3A_942 : i32 to index
        %get3A_944 = arith.constant 0 : index
        %get3A_945 = tpu.vector_load %arg10[%get3A_943, %get3A_944] {strides = array<i32>} : memref<80x128xf32, #tpu.memory_space<vmem>>, vector<1x16xf32>,
        %get3A_946 = vector.shape_cast %get3A_945 : vector<1x16xf32> to vector<16xf32>
        %mul3A_947 = arith.mulf %get3A_946, %gather3A_938 : vector<16xf32>
        %swap3A_948 = arith.index_cast %add3A_942 : i32 to index
        %swap3A_949 = arith.constant 0 : index
        %swap3A_950 = tpu.vector_load %arg10[%swap3A_948, %swap3A_949] {strides = array<i32>} : memref<80x128xf32, #tpu.memory_space<vmem>>, vector<1x16xf32>,
        %swap3A_951 = vector.shape_cast %swap3A_950 : vector<1x16xf32> to vector<16xf32>
        %swap3A_952 = vector.shape_cast %mul3A_947 : vector<16xf32> to vector<1x16xf32>
        tpu.vector_store %arg10[%swap3A_948, %swap3A_949], %swap3A_952 {strides = array<i32>} : memref<80x128xf32, #tpu.memory_space<vmem>>, vector<1x16xf32>,
        %get3A_953 = arith.index_cast %add3A_942 : i32 to index
        %get3A_954 = arith.constant 16 : index
        %get3A_955 = tpu.vector_load %arg10[%get3A_953, %get3A_954] {strides = array<i32>} : memref<80x128xf32, #tpu.memory_space<vmem>>, vector<1x16xf32>,
        %get3A_956 = vector.shape_cast %get3A_955 : vector<1x16xf32> to vector<16xf32>
        %mul3A_957 = arith.mulf %get3A_956, %gather3A_938 : vector<16xf32>
        %swap3A_958 = arith.index_cast %add3A_942 : i32 to index
        %swap3A_959 = arith.constant 16 : index
        %swap3A_960 = tpu.vector_load %arg10[%swap3A_958, %swap3A_959] {strides = array<i32>} : memref<80x128xf32, #tpu.memory_space<vmem>>, vector<1x16xf32>,
        %swap3A_961 = vector.shape_cast %swap3A_960 : vector<1x16xf32> to vector<16xf32>
        %swap3A_962 = vector.shape_cast %mul3A_957 : vector<16xf32> to vector<1x16xf32>
        tpu.vector_store %arg10[%swap3A_958, %swap3A_959], %swap3A_962 {strides = array<i32>} : memref<80x128xf32, #tpu.memory_space<vmem>>, vector<1x16xf32>,
        %get3A_963 = arith.index_cast %add3A_942 : i32 to index
        %get3A_964 = arith.constant 32 : index
        %get3A_965 = tpu.vector_load %arg10[%get3A_963, %get3A_964] {strides = array<i32>} : memref<80x128xf32, #tpu.memory_space<vmem>>, vector<1x16xf32>,
        %get3A_966 = vector.shape_cast %get3A_965 : vector<1x16xf32> to vector<16xf32>
        %mul3A_967 = arith.mulf %get3A_966, %gather3A_938 : vector<16xf32>
        %swap3A_968 = arith.index_cast %add3A_942 : i32 to index
        %swap3A_969 = arith.constant 32 : index
        %swap3A_970 = tpu.vector_load %arg10[%swap3A_968, %swap3A_969] {strides = array<i32>} : memref<80x128xf32, #tpu.memory_space<vmem>>, vector<1x16xf32>,
        %swap3A_971 = vector.shape_cast %swap3A_970 : vector<1x16xf32> to vector<16xf32>
        %swap3A_972 = vector.shape_cast %mul3A_967 : vector<16xf32> to vector<1x16xf32>
        tpu.vector_store %arg10[%swap3A_968, %swap3A_969], %swap3A_972 {strides = array<i32>} : memref<80x128xf32, #tpu.memory_space<vmem>>, vector<1x16xf32>,
        %get3A_973 = arith.index_cast %add3A_942 : i32 to index
        %get3A_974 = arith.constant 48 : index
        %get3A_975 = tpu.vector_load %arg10[%get3A_973, %get3A_974] {strides = array<i32>} : memref<80x128xf32, #tpu.memory_space<vmem>>, vector<1x16xf32>,
        %get3A_976 = vector.shape_cast %get3A_975 : vector<1x16xf32> to vector<16xf32>
        %mul3A_977 = arith.mulf %get3A_976, %gather3A_938 : vector<16xf32>
        %swap3A_978 = arith.index_cast %add3A_942 : i32 to index
        %swap3A_979 = arith.constant 48 : index
        %swap3A_980 = tpu.vector_load %arg10[%swap3A_978, %swap3A_979] {strides = array<i32>} : memref<80x128xf32, #tpu.memory_space<vmem>>, vector<1x16xf32>,
        %swap3A_981 = vector.shape_cast %swap3A_980 : vector<1x16xf32> to vector<16xf32>
        %swap3A_982 = vector.shape_cast %mul3A_977 : vector<16xf32> to vector<1x16xf32>
        tpu.vector_store %arg10[%swap3A_978, %swap3A_979], %swap3A_982 {strides = array<i32>} : memref<80x128xf32, #tpu.memory_space<vmem>>, vector<1x16xf32>,
        %get3A_983 = arith.index_cast %add3A_942 : i32 to index
        %get3A_984 = arith.constant 64 : index
        %get3A_985 = tpu.vector_load %arg10[%get3A_983, %get3A_984] {strides = array<i32>} : memref<80x128xf32, #tpu.memory_space<vmem>>, vector<1x16xf32>,
        %get3A_986 = vector.shape_cast %get3A_985 : vector<1x16xf32> to vector<16xf32>
        %mul3A_987 = arith.mulf %get3A_986, %gather3A_938 : vector<16xf32>
        %swap3A_988 = arith.index_cast %add3A_942 : i32 to index
        %swap3A_989 = arith.constant 64 : index
        %swap3A_990 = tpu.vector_load %arg10[%swap3A_988, %swap3A_989] {strides = array<i32>} : memref<80x128xf32, #tpu.memory_space<vmem>>, vector<1x16xf32>,
        %swap3A_991 = vector.shape_cast %swap3A_990 : vector<1x16xf32> to vector<16xf32>
        %swap3A_992 = vector.shape_cast %mul3A_987 : vector<16xf32> to vector<1x16xf32>
        tpu.vector_store %arg10[%swap3A_988, %swap3A_989], %swap3A_992 {strides = array<i32>} : memref<80x128xf32, #tpu.memory_space<vmem>>, vector<1x16xf32>,
        %get3A_993 = arith.index_cast %add3A_942 : i32 to index
        %get3A_994 = arith.constant 80 : index
        %get3A_995 = tpu.vector_load %arg10[%get3A_993, %get3A_994] {strides = array<i32>} : memref<80x128xf32, #tpu.memory_space<vmem>>, vector<1x16xf32>,
        %get3A_996 = vector.shape_cast %get3A_995 : vector<1x16xf32> to vector<16xf32>
        %mul3A_997 = arith.mulf %get3A_996, %gather3A_938 : vector<16xf32>
        %swap3A_998 = arith.index_cast %add3A_942 : i32 to index
        %swap3A_999 = arith.constant 80 : index
        %swap3A_1000 = tpu.vector_load %arg10[%swap3A_998, %swap3A_999] {strides = array<i32>} : memref<80x128xf32, #tpu.memory_space<vmem>>, vector<1x16xf32>,
        %swap3A_1001 = vector.shape_cast %swap3A_1000 : vector<1x16xf32> to vector<16xf32>
        %swap3A_1002 = vector.shape_cast %mul3A_997 : vector<16xf32> to vector<1x16xf32>
        tpu.vector_store %arg10[%swap3A_998, %swap3A_999], %swap3A_1002 {strides = array<i32>} : memref<80x128xf32, #tpu.memory_space<vmem>>, vector<1x16xf32>,
        %get3A_1003 = arith.index_cast %add3A_942 : i32 to index
        %get3A_1004 = arith.constant 96 : index
        %get3A_1005 = tpu.vector_load %arg10[%get3A_1003, %get3A_1004] {strides = array<i32>} : memref<80x128xf32, #tpu.memory_space<vmem>>, vector<1x16xf32>,
        %get3A_1006 = vector.shape_cast %get3A_1005 : vector<1x16xf32> to vector<16xf32>
        %mul3A_1007 = arith.mulf %get3A_1006, %gather3A_938 : vector<16xf32>
        %swap3A_1008 = arith.index_cast %add3A_942 : i32 to index
        %swap3A_1009 = arith.constant 96 : index
        %swap3A_1010 = tpu.vector_load %arg10[%swap3A_1008, %swap3A_1009] {strides = array<i32>} : memref<80x128xf32, #tpu.memory_space<vmem>>, vector<1x16xf32>,
        %swap3A_1011 = vector.shape_cast %swap3A_1010 : vector<1x16xf32> to vector<16xf32>
        %swap3A_1012 = vector.shape_cast %mul3A_1007 : vector<16xf32> to vector<1x16xf32>
        tpu.vector_store %arg10[%swap3A_1008, %swap3A_1009], %swap3A_1012 {strides = array<i32>} : memref<80x128xf32, #tpu.memory_space<vmem>>, vector<1x16xf32>,
        %get3A_1013 = arith.index_cast %add3A_942 : i32 to index
        %get3A_1014 = arith.constant 112 : index
        %get3A_1015 = tpu.vector_load %arg10[%get3A_1013, %get3A_1014] {strides = array<i32>} : memref<80x128xf32, #tpu.memory_space<vmem>>, vector<1x16xf32>,
        %get3A_1016 = vector.shape_cast %get3A_1015 : vector<1x16xf32> to vector<16xf32>
        %mul3A_1017 = arith.mulf %get3A_1016, %gather3A_938 : vector<16xf32>
        %swap3A_1018 = arith.index_cast %add3A_942 : i32 to index
        %swap3A_1019 = arith.constant 112 : index
        %swap3A_1020 = tpu.vector_load %arg10[%swap3A_1018, %swap3A_1019] {strides = array<i32>} : memref<80x128xf32, #tpu.memory_space<vmem>>, vector<1x16xf32>,
        %swap3A_1021 = vector.shape_cast %swap3A_1020 : vector<1x16xf32> to vector<16xf32>
        %swap3A_1022 = vector.shape_cast %mul3A_1017 : vector<16xf32> to vector<1x16xf32>
        tpu.vector_store %arg10[%swap3A_1018, %swap3A_1019], %swap3A_1022 {strides = array<i32>} : memref<80x128xf32, #tpu.memory_space<vmem>>, vector<1x16xf32>,
        %broadcast_in_dim3A_1023 = arith.constant 11 : i32
        %broadcast_in_dim3A_1024 = vector.broadcast %broadcast_in_dim3A_1023 : i32 to vector<16x1xi32>
        %gather3A_1025 = vector.shape_cast %broadcast_in_dim3A_1024 : vector<16x1xi32> to vector<16xi32>
        %gather3A_1026 = tpu.dynamic_gather %get3A_57[%gather3A_1025] in [0] : vector<16xf32>, vector<16xi32> -> vector<16xf32>
        %mul3A_1027 = arith.constant 16 : i32
        %mul3A_1028 = arith.muli %scan3A_53, %mul3A_1027 : i32
        %add3A_1029 = arith.constant 11 : i32
        %add3A_1030 = arith.addi %mul3A_1028, %add3A_1029 : i32
        %get3A_1031 = arith.index_cast %add3A_1030 : i32 to index
        %get3A_1032 = arith.constant 0 : index
        %get3A_1033 = tpu.vector_load %arg10[%get3A_1031, %get3A_1032] {strides = array<i32>} : memref<80x128xf32, #tpu.memory_space<vmem>>, vector<1x16xf32>,
        %get3A_1034 = vector.shape_cast %get3A_1033 : vector<1x16xf32> to vector<16xf32>
        %mul3A_1035 = arith.mulf %get3A_1034, %gather3A_1026 : vector<16xf32>
        %swap3A_1036 = arith.index_cast %add3A_1030 : i32 to index
        %swap3A_1037 = arith.constant 0 : index
        %swap3A_1038 = tpu.vector_load %arg10[%swap3A_1036, %swap3A_1037] {strides = array<i32>} : memref<80x128xf32, #tpu.memory_space<vmem>>, vector<1x16xf32>,
        %swap3A_1039 = vector.shape_cast %swap3A_1038 : vector<1x16xf32> to vector<16xf32>
        %swap3A_1040 = vector.shape_cast %mul3A_1035 : vector<16xf32> to vector<1x16xf32>
        tpu.vector_store %arg10[%swap3A_1036, %swap3A_1037], %swap3A_1040 {strides = array<i32>} : memref<80x128xf32, #tpu.memory_space<vmem>>, vector<1x16xf32>,
        %get3A_1041 = arith.index_cast %add3A_1030 : i32 to index
        %get3A_1042 = arith.constant 16 : index
        %get3A_1043 = tpu.vector_load %arg10[%get3A_1041, %get3A_1042] {strides = array<i32>} : memref<80x128xf32, #tpu.memory_space<vmem>>, vector<1x16xf32>,
        %get3A_1044 = vector.shape_cast %get3A_1043 : vector<1x16xf32> to vector<16xf32>
        %mul3A_1045 = arith.mulf %get3A_1044, %gather3A_1026 : vector<16xf32>
        %swap3A_1046 = arith.index_cast %add3A_1030 : i32 to index
        %swap3A_1047 = arith.constant 16 : index
        %swap3A_1048 = tpu.vector_load %arg10[%swap3A_1046, %swap3A_1047] {strides = array<i32>} : memref<80x128xf32, #tpu.memory_space<vmem>>, vector<1x16xf32>,
        %swap3A_1049 = vector.shape_cast %swap3A_1048 : vector<1x16xf32> to vector<16xf32>
        %swap3A_1050 = vector.shape_cast %mul3A_1045 : vector<16xf32> to vector<1x16xf32>
        tpu.vector_store %arg10[%swap3A_1046, %swap3A_1047], %swap3A_1050 {strides = array<i32>} : memref<80x128xf32, #tpu.memory_space<vmem>>, vector<1x16xf32>,
        %get3A_1051 = arith.index_cast %add3A_1030 : i32 to index
        %get3A_1052 = arith.constant 32 : index
        %get3A_1053 = tpu.vector_load %arg10[%get3A_1051, %get3A_1052] {strides = array<i32>} : memref<80x128xf32, #tpu.memory_space<vmem>>, vector<1x16xf32>,
        %get3A_1054 = vector.shape_cast %get3A_1053 : vector<1x16xf32> to vector<16xf32>
        %mul3A_1055 = arith.mulf %get3A_1054, %gather3A_1026 : vector<16xf32>
        %swap3A_1056 = arith.index_cast %add3A_1030 : i32 to index
        %swap3A_1057 = arith.constant 32 : index
        %swap3A_1058 = tpu.vector_load %arg10[%swap3A_1056, %swap3A_1057] {strides = array<i32>} : memref<80x128xf32, #tpu.memory_space<vmem>>, vector<1x16xf32>,
        %swap3A_1059 = vector.shape_cast %swap3A_1058 : vector<1x16xf32> to vector<16xf32>
        %swap3A_1060 = vector.shape_cast %mul3A_1055 : vector<16xf32> to vector<1x16xf32>
        tpu.vector_store %arg10[%swap3A_1056, %swap3A_1057], %swap3A_1060 {strides = array<i32>} : memref<80x128xf32, #tpu.memory_space<vmem>>, vector<1x16xf32>,
        %get3A_1061 = arith.index_cast %add3A_1030 : i32 to index
        %get3A_1062 = arith.constant 48 : index
        %get3A_1063 = tpu.vector_load %arg10[%get3A_1061, %get3A_1062] {strides = array<i32>} : memref<80x128xf32, #tpu.memory_space<vmem>>, vector<1x16xf32>,
        %get3A_1064 = vector.shape_cast %get3A_1063 : vector<1x16xf32> to vector<16xf32>
        %mul3A_1065 = arith.mulf %get3A_1064, %gather3A_1026 : vector<16xf32>
        %swap3A_1066 = arith.index_cast %add3A_1030 : i32 to index
        %swap3A_1067 = arith.constant 48 : index
        %swap3A_1068 = tpu.vector_load %arg10[%swap3A_1066, %swap3A_1067] {strides = array<i32>} : memref<80x128xf32, #tpu.memory_space<vmem>>, vector<1x16xf32>,
        %swap3A_1069 = vector.shape_cast %swap3A_1068 : vector<1x16xf32> to vector<16xf32>
        %swap3A_1070 = vector.shape_cast %mul3A_1065 : vector<16xf32> to vector<1x16xf32>
        tpu.vector_store %arg10[%swap3A_1066, %swap3A_1067], %swap3A_1070 {strides = array<i32>} : memref<80x128xf32, #tpu.memory_space<vmem>>, vector<1x16xf32>,
        %get3A_1071 = arith.index_cast %add3A_1030 : i32 to index
        %get3A_1072 = arith.constant 64 : index
        %get3A_1073 = tpu.vector_load %arg10[%get3A_1071, %get3A_1072] {strides = array<i32>} : memref<80x128xf32, #tpu.memory_space<vmem>>, vector<1x16xf32>,
        %get3A_1074 = vector.shape_cast %get3A_1073 : vector<1x16xf32> to vector<16xf32>
        %mul3A_1075 = arith.mulf %get3A_1074, %gather3A_1026 : vector<16xf32>
        %swap3A_1076 = arith.index_cast %add3A_1030 : i32 to index
        %swap3A_1077 = arith.constant 64 : index
        %swap3A_1078 = tpu.vector_load %arg10[%swap3A_1076, %swap3A_1077] {strides = array<i32>} : memref<80x128xf32, #tpu.memory_space<vmem>>, vector<1x16xf32>,
        %swap3A_1079 = vector.shape_cast %swap3A_1078 : vector<1x16xf32> to vector<16xf32>
        %swap3A_1080 = vector.shape_cast %mul3A_1075 : vector<16xf32> to vector<1x16xf32>
        tpu.vector_store %arg10[%swap3A_1076, %swap3A_1077], %swap3A_1080 {strides = array<i32>} : memref<80x128xf32, #tpu.memory_space<vmem>>, vector<1x16xf32>,
        %get3A_1081 = arith.index_cast %add3A_1030 : i32 to index
        %get3A_1082 = arith.constant 80 : index
        %get3A_1083 = tpu.vector_load %arg10[%get3A_1081, %get3A_1082] {strides = array<i32>} : memref<80x128xf32, #tpu.memory_space<vmem>>, vector<1x16xf32>,
        %get3A_1084 = vector.shape_cast %get3A_1083 : vector<1x16xf32> to vector<16xf32>
        %mul3A_1085 = arith.mulf %get3A_1084, %gather3A_1026 : vector<16xf32>
        %swap3A_1086 = arith.index_cast %add3A_1030 : i32 to index
        %swap3A_1087 = arith.constant 80 : index
        %swap3A_1088 = tpu.vector_load %arg10[%swap3A_1086, %swap3A_1087] {strides = array<i32>} : memref<80x128xf32, #tpu.memory_space<vmem>>, vector<1x16xf32>,
        %swap3A_1089 = vector.shape_cast %swap3A_1088 : vector<1x16xf32> to vector<16xf32>
        %swap3A_1090 = vector.shape_cast %mul3A_1085 : vector<16xf32> to vector<1x16xf32>
        tpu.vector_store %arg10[%swap3A_1086, %swap3A_1087], %swap3A_1090 {strides = array<i32>} : memref<80x128xf32, #tpu.memory_space<vmem>>, vector<1x16xf32>,
        %get3A_1091 = arith.index_cast %add3A_1030 : i32 to index
        %get3A_1092 = arith.constant 96 : index
        %get3A_1093 = tpu.vector_load %arg10[%get3A_1091, %get3A_1092] {strides = array<i32>} : memref<80x128xf32, #tpu.memory_space<vmem>>, vector<1x16xf32>,
        %get3A_1094 = vector.shape_cast %get3A_1093 : vector<1x16xf32> to vector<16xf32>
        %mul3A_1095 = arith.mulf %get3A_1094, %gather3A_1026 : vector<16xf32>
        %swap3A_1096 = arith.index_cast %add3A_1030 : i32 to index
        %swap3A_1097 = arith.constant 96 : index
        %swap3A_1098 = tpu.vector_load %arg10[%swap3A_1096, %swap3A_1097] {strides = array<i32>} : memref<80x128xf32, #tpu.memory_space<vmem>>, vector<1x16xf32>,
        %swap3A_1099 = vector.shape_cast %swap3A_1098 : vector<1x16xf32> to vector<16xf32>
        %swap3A_1100 = vector.shape_cast %mul3A_1095 : vector<16xf32> to vector<1x16xf32>
        tpu.vector_store %arg10[%swap3A_1096, %swap3A_1097], %swap3A_1100 {strides = array<i32>} : memref<80x128xf32, #tpu.memory_space<vmem>>, vector<1x16xf32>,
        %get3A_1101 = arith.index_cast %add3A_1030 : i32 to index
        %get3A_1102 = arith.constant 112 : index
        %get3A_1103 = tpu.vector_load %arg10[%get3A_1101, %get3A_1102] {strides = array<i32>} : memref<80x128xf32, #tpu.memory_space<vmem>>, vector<1x16xf32>,
        %get3A_1104 = vector.shape_cast %get3A_1103 : vector<1x16xf32> to vector<16xf32>
        %mul3A_1105 = arith.mulf %get3A_1104, %gather3A_1026 : vector<16xf32>
        %swap3A_1106 = arith.index_cast %add3A_1030 : i32 to index
        %swap3A_1107 = arith.constant 112 : index
        %swap3A_1108 = tpu.vector_load %arg10[%swap3A_1106, %swap3A_1107] {strides = array<i32>} : memref<80x128xf32, #tpu.memory_space<vmem>>, vector<1x16xf32>,
        %swap3A_1109 = vector.shape_cast %swap3A_1108 : vector<1x16xf32> to vector<16xf32>
        %swap3A_1110 = vector.shape_cast %mul3A_1105 : vector<16xf32> to vector<1x16xf32>
        tpu.vector_store %arg10[%swap3A_1106, %swap3A_1107], %swap3A_1110 {strides = array<i32>} : memref<80x128xf32, #tpu.memory_space<vmem>>, vector<1x16xf32>,
        %broadcast_in_dim3A_1111 = arith.constant 12 : i32
        %broadcast_in_dim3A_1112 = vector.broadcast %broadcast_in_dim3A_1111 : i32 to vector<16x1xi32>
        %gather3A_1113 = vector.shape_cast %broadcast_in_dim3A_1112 : vector<16x1xi32> to vector<16xi32>
        %gather3A_1114 = tpu.dynamic_gather %get3A_57[%gather3A_1113] in [0] : vector<16xf32>, vector<16xi32> -> vector<16xf32>
        %mul3A_1115 = arith.constant 16 : i32
        %mul3A_1116 = arith.muli %scan3A_53, %mul3A_1115 : i32
        %add3A_1117 = arith.constant 12 : i32
        %add3A_1118 = arith.addi %mul3A_1116, %add3A_1117 : i32
        %get3A_1119 = arith.index_cast %add3A_1118 : i32 to index
        %get3A_1120 = arith.constant 0 : index
        %get3A_1121 = tpu.vector_load %arg10[%get3A_1119, %get3A_1120] {strides = array<i32>} : memref<80x128xf32, #tpu.memory_space<vmem>>, vector<1x16xf32>,
        %get3A_1122 = vector.shape_cast %get3A_1121 : vector<1x16xf32> to vector<16xf32>
        %mul3A_1123 = arith.mulf %get3A_1122, %gather3A_1114 : vector<16xf32>
        %swap3A_1124 = arith.index_cast %add3A_1118 : i32 to index
        %swap3A_1125 = arith.constant 0 : index
        %swap3A_1126 = tpu.vector_load %arg10[%swap3A_1124, %swap3A_1125] {strides = array<i32>} : memref<80x128xf32, #tpu.memory_space<vmem>>, vector<1x16xf32>,
        %swap3A_1127 = vector.shape_cast %swap3A_1126 : vector<1x16xf32> to vector<16xf32>
        %swap3A_1128 = vector.shape_cast %mul3A_1123 : vector<16xf32> to vector<1x16xf32>
        tpu.vector_store %arg10[%swap3A_1124, %swap3A_1125], %swap3A_1128 {strides = array<i32>} : memref<80x128xf32, #tpu.memory_space<vmem>>, vector<1x16xf32>,
        %get3A_1129 = arith.index_cast %add3A_1118 : i32 to index
        %get3A_1130 = arith.constant 16 : index
        %get3A_1131 = tpu.vector_load %arg10[%get3A_1129, %get3A_1130] {strides = array<i32>} : memref<80x128xf32, #tpu.memory_space<vmem>>, vector<1x16xf32>,
        %get3A_1132 = vector.shape_cast %get3A_1131 : vector<1x16xf32> to vector<16xf32>
        %mul3A_1133 = arith.mulf %get3A_1132, %gather3A_1114 : vector<16xf32>
        %swap3A_1134 = arith.index_cast %add3A_1118 : i32 to index
        %swap3A_1135 = arith.constant 16 : index
        %swap3A_1136 = tpu.vector_load %arg10[%swap3A_1134, %swap3A_1135] {strides = array<i32>} : memref<80x128xf32, #tpu.memory_space<vmem>>, vector<1x16xf32>,
        %swap3A_1137 = vector.shape_cast %swap3A_1136 : vector<1x16xf32> to vector<16xf32>
        %swap3A_1138 = vector.shape_cast %mul3A_1133 : vector<16xf32> to vector<1x16xf32>
        tpu.vector_store %arg10[%swap3A_1134, %swap3A_1135], %swap3A_1138 {strides = array<i32>} : memref<80x128xf32, #tpu.memory_space<vmem>>, vector<1x16xf32>,
        %get3A_1139 = arith.index_cast %add3A_1118 : i32 to index
        %get3A_1140 = arith.constant 32 : index
        %get3A_1141 = tpu.vector_load %arg10[%get3A_1139, %get3A_1140] {strides = array<i32>} : memref<80x128xf32, #tpu.memory_space<vmem>>, vector<1x16xf32>,
        %get3A_1142 = vector.shape_cast %get3A_1141 : vector<1x16xf32> to vector<16xf32>
        %mul3A_1143 = arith.mulf %get3A_1142, %gather3A_1114 : vector<16xf32>
        %swap3A_1144 = arith.index_cast %add3A_1118 : i32 to index
        %swap3A_1145 = arith.constant 32 : index
        %swap3A_1146 = tpu.vector_load %arg10[%swap3A_1144, %swap3A_1145] {strides = array<i32>} : memref<80x128xf32, #tpu.memory_space<vmem>>, vector<1x16xf32>,
        %swap3A_1147 = vector.shape_cast %swap3A_1146 : vector<1x16xf32> to vector<16xf32>
        %swap3A_1148 = vector.shape_cast %mul3A_1143 : vector<16xf32> to vector<1x16xf32>
        tpu.vector_store %arg10[%swap3A_1144, %swap3A_1145], %swap3A_1148 {strides = array<i32>} : memref<80x128xf32, #tpu.memory_space<vmem>>, vector<1x16xf32>,
        %get3A_1149 = arith.index_cast %add3A_1118 : i32 to index
        %get3A_1150 = arith.constant 48 : index
        %get3A_1151 = tpu.vector_load %arg10[%get3A_1149, %get3A_1150] {strides = array<i32>} : memref<80x128xf32, #tpu.memory_space<vmem>>, vector<1x16xf32>,
        %get3A_1152 = vector.shape_cast %get3A_1151 : vector<1x16xf32> to vector<16xf32>
        %mul3A_1153 = arith.mulf %get3A_1152, %gather3A_1114 : vector<16xf32>
        %swap3A_1154 = arith.index_cast %add3A_1118 : i32 to index
        %swap3A_1155 = arith.constant 48 : index
        %swap3A_1156 = tpu.vector_load %arg10[%swap3A_1154, %swap3A_1155] {strides = array<i32>} : memref<80x128xf32, #tpu.memory_space<vmem>>, vector<1x16xf32>,
        %swap3A_1157 = vector.shape_cast %swap3A_1156 : vector<1x16xf32> to vector<16xf32>
        %swap3A_1158 = vector.shape_cast %mul3A_1153 : vector<16xf32> to vector<1x16xf32>
        tpu.vector_store %arg10[%swap3A_1154, %swap3A_1155], %swap3A_1158 {strides = array<i32>} : memref<80x128xf32, #tpu.memory_space<vmem>>, vector<1x16xf32>,
        %get3A_1159 = arith.index_cast %add3A_1118 : i32 to index
        %get3A_1160 = arith.constant 64 : index
        %get3A_1161 = tpu.vector_load %arg10[%get3A_1159, %get3A_1160] {strides = array<i32>} : memref<80x128xf32, #tpu.memory_space<vmem>>, vector<1x16xf32>,
        %get3A_1162 = vector.shape_cast %get3A_1161 : vector<1x16xf32> to vector<16xf32>
        %mul3A_1163 = arith.mulf %get3A_1162, %gather3A_1114 : vector<16xf32>
        %swap3A_1164 = arith.index_cast %add3A_1118 : i32 to index
        %swap3A_1165 = arith.constant 64 : index
        %swap3A_1166 = tpu.vector_load %arg10[%swap3A_1164, %swap3A_1165] {strides = array<i32>} : memref<80x128xf32, #tpu.memory_space<vmem>>, vector<1x16xf32>,
        %swap3A_1167 = vector.shape_cast %swap3A_1166 : vector<1x16xf32> to vector<16xf32>
        %swap3A_1168 = vector.shape_cast %mul3A_1163 : vector<16xf32> to vector<1x16xf32>
        tpu.vector_store %arg10[%swap3A_1164, %swap3A_1165], %swap3A_1168 {strides = array<i32>} : memref<80x128xf32, #tpu.memory_space<vmem>>, vector<1x16xf32>,
        %get3A_1169 = arith.index_cast %add3A_1118 : i32 to index
        %get3A_1170 = arith.constant 80 : index
        %get3A_1171 = tpu.vector_load %arg10[%get3A_1169, %get3A_1170] {strides = array<i32>} : memref<80x128xf32, #tpu.memory_space<vmem>>, vector<1x16xf32>,
        %get3A_1172 = vector.shape_cast %get3A_1171 : vector<1x16xf32> to vector<16xf32>
        %mul3A_1173 = arith.mulf %get3A_1172, %gather3A_1114 : vector<16xf32>
        %swap3A_1174 = arith.index_cast %add3A_1118 : i32 to index
        %swap3A_1175 = arith.constant 80 : index
        %swap3A_1176 = tpu.vector_load %arg10[%swap3A_1174, %swap3A_1175] {strides = array<i32>} : memref<80x128xf32, #tpu.memory_space<vmem>>, vector<1x16xf32>,
        %swap3A_1177 = vector.shape_cast %swap3A_1176 : vector<1x16xf32> to vector<16xf32>
        %swap3A_1178 = vector.shape_cast %mul3A_1173 : vector<16xf32> to vector<1x16xf32>
        tpu.vector_store %arg10[%swap3A_1174, %swap3A_1175], %swap3A_1178 {strides = array<i32>} : memref<80x128xf32, #tpu.memory_space<vmem>>, vector<1x16xf32>,
        %get3A_1179 = arith.index_cast %add3A_1118 : i32 to index
        %get3A_1180 = arith.constant 96 : index
        %get3A_1181 = tpu.vector_load %arg10[%get3A_1179, %get3A_1180] {strides = array<i32>} : memref<80x128xf32, #tpu.memory_space<vmem>>, vector<1x16xf32>,
        %get3A_1182 = vector.shape_cast %get3A_1181 : vector<1x16xf32> to vector<16xf32>
        %mul3A_1183 = arith.mulf %get3A_1182, %gather3A_1114 : vector<16xf32>
        %swap3A_1184 = arith.index_cast %add3A_1118 : i32 to index
        %swap3A_1185 = arith.constant 96 : index
        %swap3A_1186 = tpu.vector_load %arg10[%swap3A_1184, %swap3A_1185] {strides = array<i32>} : memref<80x128xf32, #tpu.memory_space<vmem>>, vector<1x16xf32>,
        %swap3A_1187 = vector.shape_cast %swap3A_1186 : vector<1x16xf32> to vector<16xf32>
        %swap3A_1188 = vector.shape_cast %mul3A_1183 : vector<16xf32> to vector<1x16xf32>
        tpu.vector_store %arg10[%swap3A_1184, %swap3A_1185], %swap3A_1188 {strides = array<i32>} : memref<80x128xf32, #tpu.memory_space<vmem>>, vector<1x16xf32>,
        %get3A_1189 = arith.index_cast %add3A_1118 : i32 to index
        %get3A_1190 = arith.constant 112 : index
        %get3A_1191 = tpu.vector_load %arg10[%get3A_1189, %get3A_1190] {strides = array<i32>} : memref<80x128xf32, #tpu.memory_space<vmem>>, vector<1x16xf32>,
        %get3A_1192 = vector.shape_cast %get3A_1191 : vector<1x16xf32> to vector<16xf32>
        %mul3A_1193 = arith.mulf %get3A_1192, %gather3A_1114 : vector<16xf32>
        %swap3A_1194 = arith.index_cast %add3A_1118 : i32 to index
        %swap3A_1195 = arith.constant 112 : index
        %swap3A_1196 = tpu.vector_load %arg10[%swap3A_1194, %swap3A_1195] {strides = array<i32>} : memref<80x128xf32, #tpu.memory_space<vmem>>, vector<1x16xf32>,
        %swap3A_1197 = vector.shape_cast %swap3A_1196 : vector<1x16xf32> to vector<16xf32>
        %swap3A_1198 = vector.shape_cast %mul3A_1193 : vector<16xf32> to vector<1x16xf32>
        tpu.vector_store %arg10[%swap3A_1194, %swap3A_1195], %swap3A_1198 {strides = array<i32>} : memref<80x128xf32, #tpu.memory_space<vmem>>, vector<1x16xf32>,
        %broadcast_in_dim3A_1199 = arith.constant 13 : i32
        %broadcast_in_dim3A_1200 = vector.broadcast %broadcast_in_dim3A_1199 : i32 to vector<16x1xi32>
        %gather3A_1201 = vector.shape_cast %broadcast_in_dim3A_1200 : vector<16x1xi32> to vector<16xi32>
        %gather3A_1202 = tpu.dynamic_gather %get3A_57[%gather3A_1201] in [0] : vector<16xf32>, vector<16xi32> -> vector<16xf32>
        %mul3A_1203 = arith.constant 16 : i32
        %mul3A_1204 = arith.muli %scan3A_53, %mul3A_1203 : i32
        %add3A_1205 = arith.constant 13 : i32
        %add3A_1206 = arith.addi %mul3A_1204, %add3A_1205 : i32
        %get3A_1207 = arith.index_cast %add3A_1206 : i32 to index
        %get3A_1208 = arith.constant 0 : index
        %get3A_1209 = tpu.vector_load %arg10[%get3A_1207, %get3A_1208] {strides = array<i32>} : memref<80x128xf32, #tpu.memory_space<vmem>>, vector<1x16xf32>,
        %get3A_1210 = vector.shape_cast %get3A_1209 : vector<1x16xf32> to vector<16xf32>
        %mul3A_1211 = arith.mulf %get3A_1210, %gather3A_1202 : vector<16xf32>
        %swap3A_1212 = arith.index_cast %add3A_1206 : i32 to index
        %swap3A_1213 = arith.constant 0 : index
        %swap3A_1214 = tpu.vector_load %arg10[%swap3A_1212, %swap3A_1213] {strides = array<i32>} : memref<80x128xf32, #tpu.memory_space<vmem>>, vector<1x16xf32>,
        %swap3A_1215 = vector.shape_cast %swap3A_1214 : vector<1x16xf32> to vector<16xf32>
        %swap3A_1216 = vector.shape_cast %mul3A_1211 : vector<16xf32> to vector<1x16xf32>
        tpu.vector_store %arg10[%swap3A_1212, %swap3A_1213], %swap3A_1216 {strides = array<i32>} : memref<80x128xf32, #tpu.memory_space<vmem>>, vector<1x16xf32>,
        %get3A_1217 = arith.index_cast %add3A_1206 : i32 to index
        %get3A_1218 = arith.constant 16 : index
        %get3A_1219 = tpu.vector_load %arg10[%get3A_1217, %get3A_1218] {strides = array<i32>} : memref<80x128xf32, #tpu.memory_space<vmem>>, vector<1x16xf32>,
        %get3A_1220 = vector.shape_cast %get3A_1219 : vector<1x16xf32> to vector<16xf32>
        %mul3A_1221 = arith.mulf %get3A_1220, %gather3A_1202 : vector<16xf32>
        %swap3A_1222 = arith.index_cast %add3A_1206 : i32 to index
        %swap3A_1223 = arith.constant 16 : index
        %swap3A_1224 = tpu.vector_load %arg10[%swap3A_1222, %swap3A_1223] {strides = array<i32>} : memref<80x128xf32, #tpu.memory_space<vmem>>, vector<1x16xf32>,
        %swap3A_1225 = vector.shape_cast %swap3A_1224 : vector<1x16xf32> to vector<16xf32>
        %swap3A_1226 = vector.shape_cast %mul3A_1221 : vector<16xf32> to vector<1x16xf32>
        tpu.vector_store %arg10[%swap3A_1222, %swap3A_1223], %swap3A_1226 {strides = array<i32>} : memref<80x128xf32, #tpu.memory_space<vmem>>, vector<1x16xf32>,
        %get3A_1227 = arith.index_cast %add3A_1206 : i32 to index
        %get3A_1228 = arith.constant 32 : index
        %get3A_1229 = tpu.vector_load %arg10[%get3A_1227, %get3A_1228] {strides = array<i32>} : memref<80x128xf32, #tpu.memory_space<vmem>>, vector<1x16xf32>,
        %get3A_1230 = vector.shape_cast %get3A_1229 : vector<1x16xf32> to vector<16xf32>
        %mul3A_1231 = arith.mulf %get3A_1230, %gather3A_1202 : vector<16xf32>
        %swap3A_1232 = arith.index_cast %add3A_1206 : i32 to index
        %swap3A_1233 = arith.constant 32 : index
        %swap3A_1234 = tpu.vector_load %arg10[%swap3A_1232, %swap3A_1233] {strides = array<i32>} : memref<80x128xf32, #tpu.memory_space<vmem>>, vector<1x16xf32>,
        %swap3A_1235 = vector.shape_cast %swap3A_1234 : vector<1x16xf32> to vector<16xf32>
        %swap3A_1236 = vector.shape_cast %mul3A_1231 : vector<16xf32> to vector<1x16xf32>
        tpu.vector_store %arg10[%swap3A_1232, %swap3A_1233], %swap3A_1236 {strides = array<i32>} : memref<80x128xf32, #tpu.memory_space<vmem>>, vector<1x16xf32>,
        %get3A_1237 = arith.index_cast %add3A_1206 : i32 to index
        %get3A_1238 = arith.constant 48 : index
        %get3A_1239 = tpu.vector_load %arg10[%get3A_1237, %get3A_1238] {strides = array<i32>} : memref<80x128xf32, #tpu.memory_space<vmem>>, vector<1x16xf32>,
        %get3A_1240 = vector.shape_cast %get3A_1239 : vector<1x16xf32> to vector<16xf32>
        %mul3A_1241 = arith.mulf %get3A_1240, %gather3A_1202 : vector<16xf32>
        %swap3A_1242 = arith.index_cast %add3A_1206 : i32 to index
        %swap3A_1243 = arith.constant 48 : index
        %swap3A_1244 = tpu.vector_load %arg10[%swap3A_1242, %swap3A_1243] {strides = array<i32>} : memref<80x128xf32, #tpu.memory_space<vmem>>, vector<1x16xf32>,
        %swap3A_1245 = vector.shape_cast %swap3A_1244 : vector<1x16xf32> to vector<16xf32>
        %swap3A_1246 = vector.shape_cast %mul3A_1241 : vector<16xf32> to vector<1x16xf32>
        tpu.vector_store %arg10[%swap3A_1242, %swap3A_1243], %swap3A_1246 {strides = array<i32>} : memref<80x128xf32, #tpu.memory_space<vmem>>, vector<1x16xf32>,
        %get3A_1247 = arith.index_cast %add3A_1206 : i32 to index
        %get3A_1248 = arith.constant 64 : index
        %get3A_1249 = tpu.vector_load %arg10[%get3A_1247, %get3A_1248] {strides = array<i32>} : memref<80x128xf32, #tpu.memory_space<vmem>>, vector<1x16xf32>,
        %get3A_1250 = vector.shape_cast %get3A_1249 : vector<1x16xf32> to vector<16xf32>
        %mul3A_1251 = arith.mulf %get3A_1250, %gather3A_1202 : vector<16xf32>
        %swap3A_1252 = arith.index_cast %add3A_1206 : i32 to index
        %swap3A_1253 = arith.constant 64 : index
        %swap3A_1254 = tpu.vector_load %arg10[%swap3A_1252, %swap3A_1253] {strides = array<i32>} : memref<80x128xf32, #tpu.memory_space<vmem>>, vector<1x16xf32>,
        %swap3A_1255 = vector.shape_cast %swap3A_1254 : vector<1x16xf32> to vector<16xf32>
        %swap3A_1256 = vector.shape_cast %mul3A_1251 : vector<16xf32> to vector<1x16xf32>
        tpu.vector_store %arg10[%swap3A_1252, %swap3A_1253], %swap3A_1256 {strides = array<i32>} : memref<80x128xf32, #tpu.memory_space<vmem>>, vector<1x16xf32>,
        %get3A_1257 = arith.index_cast %add3A_1206 : i32 to index
        %get3A_1258 = arith.constant 80 : index
        %get3A_1259 = tpu.vector_load %arg10[%get3A_1257, %get3A_1258] {strides = array<i32>} : memref<80x128xf32, #tpu.memory_space<vmem>>, vector<1x16xf32>,
        %get3A_1260 = vector.shape_cast %get3A_1259 : vector<1x16xf32> to vector<16xf32>
        %mul3A_1261 = arith.mulf %get3A_1260, %gather3A_1202 : vector<16xf32>
        %swap3A_1262 = arith.index_cast %add3A_1206 : i32 to index
        %swap3A_1263 = arith.constant 80 : index
        %swap3A_1264 = tpu.vector_load %arg10[%swap3A_1262, %swap3A_1263] {strides = array<i32>} : memref<80x128xf32, #tpu.memory_space<vmem>>, vector<1x16xf32>,
        %swap3A_1265 = vector.shape_cast %swap3A_1264 : vector<1x16xf32> to vector<16xf32>
        %swap3A_1266 = vector.shape_cast %mul3A_1261 : vector<16xf32> to vector<1x16xf32>
        tpu.vector_store %arg10[%swap3A_1262, %swap3A_1263], %swap3A_1266 {strides = array<i32>} : memref<80x128xf32, #tpu.memory_space<vmem>>, vector<1x16xf32>,
        %get3A_1267 = arith.index_cast %add3A_1206 : i32 to index
        %get3A_1268 = arith.constant 96 : index
        %get3A_1269 = tpu.vector_load %arg10[%get3A_1267, %get3A_1268] {strides = array<i32>} : memref<80x128xf32, #tpu.memory_space<vmem>>, vector<1x16xf32>,
        %get3A_1270 = vector.shape_cast %get3A_1269 : vector<1x16xf32> to vector<16xf32>
        %mul3A_1271 = arith.mulf %get3A_1270, %gather3A_1202 : vector<16xf32>
        %swap3A_1272 = arith.index_cast %add3A_1206 : i32 to index
        %swap3A_1273 = arith.constant 96 : index
        %swap3A_1274 = tpu.vector_load %arg10[%swap3A_1272, %swap3A_1273] {strides = array<i32>} : memref<80x128xf32, #tpu.memory_space<vmem>>, vector<1x16xf32>,
        %swap3A_1275 = vector.shape_cast %swap3A_1274 : vector<1x16xf32> to vector<16xf32>
        %swap3A_1276 = vector.shape_cast %mul3A_1271 : vector<16xf32> to vector<1x16xf32>
        tpu.vector_store %arg10[%swap3A_1272, %swap3A_1273], %swap3A_1276 {strides = array<i32>} : memref<80x128xf32, #tpu.memory_space<vmem>>, vector<1x16xf32>,
        %get3A_1277 = arith.index_cast %add3A_1206 : i32 to index
        %get3A_1278 = arith.constant 112 : index
        %get3A_1279 = tpu.vector_load %arg10[%get3A_1277, %get3A_1278] {strides = array<i32>} : memref<80x128xf32, #tpu.memory_space<vmem>>, vector<1x16xf32>,
        %get3A_1280 = vector.shape_cast %get3A_1279 : vector<1x16xf32> to vector<16xf32>
        %mul3A_1281 = arith.mulf %get3A_1280, %gather3A_1202 : vector<16xf32>
        %swap3A_1282 = arith.index_cast %add3A_1206 : i32 to index
        %swap3A_1283 = arith.constant 112 : index
        %swap3A_1284 = tpu.vector_load %arg10[%swap3A_1282, %swap3A_1283] {strides = array<i32>} : memref<80x128xf32, #tpu.memory_space<vmem>>, vector<1x16xf32>,
        %swap3A_1285 = vector.shape_cast %swap3A_1284 : vector<1x16xf32> to vector<16xf32>
        %swap3A_1286 = vector.shape_cast %mul3A_1281 : vector<16xf32> to vector<1x16xf32>
        tpu.vector_store %arg10[%swap3A_1282, %swap3A_1283], %swap3A_1286 {strides = array<i32>} : memref<80x128xf32, #tpu.memory_space<vmem>>, vector<1x16xf32>,
        %broadcast_in_dim3A_1287 = arith.constant 14 : i32
        %broadcast_in_dim3A_1288 = vector.broadcast %broadcast_in_dim3A_1287 : i32 to vector<16x1xi32>
        %gather3A_1289 = vector.shape_cast %broadcast_in_dim3A_1288 : vector<16x1xi32> to vector<16xi32>
        %gather3A_1290 = tpu.dynamic_gather %get3A_57[%gather3A_1289] in [0] : vector<16xf32>, vector<16xi32> -> vector<16xf32>
        %mul3A_1291 = arith.constant 16 : i32
        %mul3A_1292 = arith.muli %scan3A_53, %mul3A_1291 : i32
        %add3A_1293 = arith.constant 14 : i32
        %add3A_1294 = arith.addi %mul3A_1292, %add3A_1293 : i32
        %get3A_1295 = arith.index_cast %add3A_1294 : i32 to index
        %get3A_1296 = arith.constant 0 : index
        %get3A_1297 = tpu.vector_load %arg10[%get3A_1295, %get3A_1296] {strides = array<i32>} : memref<80x128xf32, #tpu.memory_space<vmem>>, vector<1x16xf32>,
        %get3A_1298 = vector.shape_cast %get3A_1297 : vector<1x16xf32> to vector<16xf32>
        %mul3A_1299 = arith.mulf %get3A_1298, %gather3A_1290 : vector<16xf32>
        %swap3A_1300 = arith.index_cast %add3A_1294 : i32 to index
        %swap3A_1301 = arith.constant 0 : index
        %swap3A_1302 = tpu.vector_load %arg10[%swap3A_1300, %swap3A_1301] {strides = array<i32>} : memref<80x128xf32, #tpu.memory_space<vmem>>, vector<1x16xf32>,
        %swap3A_1303 = vector.shape_cast %swap3A_1302 : vector<1x16xf32> to vector<16xf32>
        %swap3A_1304 = vector.shape_cast %mul3A_1299 : vector<16xf32> to vector<1x16xf32>
        tpu.vector_store %arg10[%swap3A_1300, %swap3A_1301], %swap3A_1304 {strides = array<i32>} : memref<80x128xf32, #tpu.memory_space<vmem>>, vector<1x16xf32>,
        %get3A_1305 = arith.index_cast %add3A_1294 : i32 to index
        %get3A_1306 = arith.constant 16 : index
        %get3A_1307 = tpu.vector_load %arg10[%get3A_1305, %get3A_1306] {strides = array<i32>} : memref<80x128xf32, #tpu.memory_space<vmem>>, vector<1x16xf32>,
        %get3A_1308 = vector.shape_cast %get3A_1307 : vector<1x16xf32> to vector<16xf32>
        %mul3A_1309 = arith.mulf %get3A_1308, %gather3A_1290 : vector<16xf32>
        %swap3A_1310 = arith.index_cast %add3A_1294 : i32 to index
        %swap3A_1311 = arith.constant 16 : index
        %swap3A_1312 = tpu.vector_load %arg10[%swap3A_1310, %swap3A_1311] {strides = array<i32>} : memref<80x128xf32, #tpu.memory_space<vmem>>, vector<1x16xf32>,
        %swap3A_1313 = vector.shape_cast %swap3A_1312 : vector<1x16xf32> to vector<16xf32>
        %swap3A_1314 = vector.shape_cast %mul3A_1309 : vector<16xf32> to vector<1x16xf32>
        tpu.vector_store %arg10[%swap3A_1310, %swap3A_1311], %swap3A_1314 {strides = array<i32>} : memref<80x128xf32, #tpu.memory_space<vmem>>, vector<1x16xf32>,
        %get3A_1315 = arith.index_cast %add3A_1294 : i32 to index
        %get3A_1316 = arith.constant 32 : index
        %get3A_1317 = tpu.vector_load %arg10[%get3A_1315, %get3A_1316] {strides = array<i32>} : memref<80x128xf32, #tpu.memory_space<vmem>>, vector<1x16xf32>,
        %get3A_1318 = vector.shape_cast %get3A_1317 : vector<1x16xf32> to vector<16xf32>
        %mul3A_1319 = arith.mulf %get3A_1318, %gather3A_1290 : vector<16xf32>
        %swap3A_1320 = arith.index_cast %add3A_1294 : i32 to index
        %swap3A_1321 = arith.constant 32 : index
        %swap3A_1322 = tpu.vector_load %arg10[%swap3A_1320, %swap3A_1321] {strides = array<i32>} : memref<80x128xf32, #tpu.memory_space<vmem>>, vector<1x16xf32>,
        %swap3A_1323 = vector.shape_cast %swap3A_1322 : vector<1x16xf32> to vector<16xf32>
        %swap3A_1324 = vector.shape_cast %mul3A_1319 : vector<16xf32> to vector<1x16xf32>
        tpu.vector_store %arg10[%swap3A_1320, %swap3A_1321], %swap3A_1324 {strides = array<i32>} : memref<80x128xf32, #tpu.memory_space<vmem>>, vector<1x16xf32>,
        %get3A_1325 = arith.index_cast %add3A_1294 : i32 to index
        %get3A_1326 = arith.constant 48 : index
        %get3A_1327 = tpu.vector_load %arg10[%get3A_1325, %get3A_1326] {strides = array<i32>} : memref<80x128xf32, #tpu.memory_space<vmem>>, vector<1x16xf32>,
        %get3A_1328 = vector.shape_cast %get3A_1327 : vector<1x16xf32> to vector<16xf32>
        %mul3A_1329 = arith.mulf %get3A_1328, %gather3A_1290 : vector<16xf32>
        %swap3A_1330 = arith.index_cast %add3A_1294 : i32 to index
        %swap3A_1331 = arith.constant 48 : index
        %swap3A_1332 = tpu.vector_load %arg10[%swap3A_1330, %swap3A_1331] {strides = array<i32>} : memref<80x128xf32, #tpu.memory_space<vmem>>, vector<1x16xf32>,
        %swap3A_1333 = vector.shape_cast %swap3A_1332 : vector<1x16xf32> to vector<16xf32>
        %swap3A_1334 = vector.shape_cast %mul3A_1329 : vector<16xf32> to vector<1x16xf32>
        tpu.vector_store %arg10[%swap3A_1330, %swap3A_1331], %swap3A_1334 {strides = array<i32>} : memref<80x128xf32, #tpu.memory_space<vmem>>, vector<1x16xf32>,
        %get3A_1335 = arith.index_cast %add3A_1294 : i32 to index
        %get3A_1336 = arith.constant 64 : index
        %get3A_1337 = tpu.vector_load %arg10[%get3A_1335, %get3A_1336] {strides = array<i32>} : memref<80x128xf32, #tpu.memory_space<vmem>>, vector<1x16xf32>,
        %get3A_1338 = vector.shape_cast %get3A_1337 : vector<1x16xf32> to vector<16xf32>
        %mul3A_1339 = arith.mulf %get3A_1338, %gather3A_1290 : vector<16xf32>
        %swap3A_1340 = arith.index_cast %add3A_1294 : i32 to index
        %swap3A_1341 = arith.constant 64 : index
        %swap3A_1342 = tpu.vector_load %arg10[%swap3A_1340, %swap3A_1341] {strides = array<i32>} : memref<80x128xf32, #tpu.memory_space<vmem>>, vector<1x16xf32>,
        %swap3A_1343 = vector.shape_cast %swap3A_1342 : vector<1x16xf32> to vector<16xf32>
        %swap3A_1344 = vector.shape_cast %mul3A_1339 : vector<16xf32> to vector<1x16xf32>
        tpu.vector_store %arg10[%swap3A_1340, %swap3A_1341], %swap3A_1344 {strides = array<i32>} : memref<80x128xf32, #tpu.memory_space<vmem>>, vector<1x16xf32>,
        %get3A_1345 = arith.index_cast %add3A_1294 : i32 to index
        %get3A_1346 = arith.constant 80 : index
        %get3A_1347 = tpu.vector_load %arg10[%get3A_1345, %get3A_1346] {strides = array<i32>} : memref<80x128xf32, #tpu.memory_space<vmem>>, vector<1x16xf32>,
        %get3A_1348 = vector.shape_cast %get3A_1347 : vector<1x16xf32> to vector<16xf32>
        %mul3A_1349 = arith.mulf %get3A_1348, %gather3A_1290 : vector<16xf32>
        %swap3A_1350 = arith.index_cast %add3A_1294 : i32 to index
        %swap3A_1351 = arith.constant 80 : index
        %swap3A_1352 = tpu.vector_load %arg10[%swap3A_1350, %swap3A_1351] {strides = array<i32>} : memref<80x128xf32, #tpu.memory_space<vmem>>, vector<1x16xf32>,
        %swap3A_1353 = vector.shape_cast %swap3A_1352 : vector<1x16xf32> to vector<16xf32>
        %swap3A_1354 = vector.shape_cast %mul3A_1349 : vector<16xf32> to vector<1x16xf32>
        tpu.vector_store %arg10[%swap3A_1350, %swap3A_1351], %swap3A_1354 {strides = array<i32>} : memref<80x128xf32, #tpu.memory_space<vmem>>, vector<1x16xf32>,
        %get3A_1355 = arith.index_cast %add3A_1294 : i32 to index
        %get3A_1356 = arith.constant 96 : index
        %get3A_1357 = tpu.vector_load %arg10[%get3A_1355, %get3A_1356] {strides = array<i32>} : memref<80x128xf32, #tpu.memory_space<vmem>>, vector<1x16xf32>,
        %get3A_1358 = vector.shape_cast %get3A_1357 : vector<1x16xf32> to vector<16xf32>
        %mul3A_1359 = arith.mulf %get3A_1358, %gather3A_1290 : vector<16xf32>
        %swap3A_1360 = arith.index_cast %add3A_1294 : i32 to index
        %swap3A_1361 = arith.constant 96 : index
        %swap3A_1362 = tpu.vector_load %arg10[%swap3A_1360, %swap3A_1361] {strides = array<i32>} : memref<80x128xf32, #tpu.memory_space<vmem>>, vector<1x16xf32>,
        %swap3A_1363 = vector.shape_cast %swap3A_1362 : vector<1x16xf32> to vector<16xf32>
        %swap3A_1364 = vector.shape_cast %mul3A_1359 : vector<16xf32> to vector<1x16xf32>
        tpu.vector_store %arg10[%swap3A_1360, %swap3A_1361], %swap3A_1364 {strides = array<i32>} : memref<80x128xf32, #tpu.memory_space<vmem>>, vector<1x16xf32>,
        %get3A_1365 = arith.index_cast %add3A_1294 : i32 to index
        %get3A_1366 = arith.constant 112 : index
        %get3A_1367 = tpu.vector_load %arg10[%get3A_1365, %get3A_1366] {strides = array<i32>} : memref<80x128xf32, #tpu.memory_space<vmem>>, vector<1x16xf32>,
        %get3A_1368 = vector.shape_cast %get3A_1367 : vector<1x16xf32> to vector<16xf32>
        %mul3A_1369 = arith.mulf %get3A_1368, %gather3A_1290 : vector<16xf32>
        %swap3A_1370 = arith.index_cast %add3A_1294 : i32 to index
        %swap3A_1371 = arith.constant 112 : index
        %swap3A_1372 = tpu.vector_load %arg10[%swap3A_1370, %swap3A_1371] {strides = array<i32>} : memref<80x128xf32, #tpu.memory_space<vmem>>, vector<1x16xf32>,
        %swap3A_1373 = vector.shape_cast %swap3A_1372 : vector<1x16xf32> to vector<16xf32>
        %swap3A_1374 = vector.shape_cast %mul3A_1369 : vector<16xf32> to vector<1x16xf32>
        tpu.vector_store %arg10[%swap3A_1370, %swap3A_1371], %swap3A_1374 {strides = array<i32>} : memref<80x128xf32, #tpu.memory_space<vmem>>, vector<1x16xf32>,
        %broadcast_in_dim3A_1375 = arith.constant 15 : i32
        %broadcast_in_dim3A_1376 = vector.broadcast %broadcast_in_dim3A_1375 : i32 to vector<16x1xi32>
        %gather3A_1377 = vector.shape_cast %broadcast_in_dim3A_1376 : vector<16x1xi32> to vector<16xi32>
        %gather3A_1378 = tpu.dynamic_gather %get3A_57[%gather3A_1377] in [0] : vector<16xf32>, vector<16xi32> -> vector<16xf32>
        %mul3A_1379 = arith.constant 16 : i32
        %mul3A_1380 = arith.muli %scan3A_53, %mul3A_1379 : i32
        %add3A_1381 = arith.constant 15 : i32
        %add3A_1382 = arith.addi %mul3A_1380, %add3A_1381 : i32
        %get3A_1383 = arith.index_cast %add3A_1382 : i32 to index
        %get3A_1384 = arith.constant 0 : index
        %get3A_1385 = tpu.vector_load %arg10[%get3A_1383, %get3A_1384] {strides = array<i32>} : memref<80x128xf32, #tpu.memory_space<vmem>>, vector<1x16xf32>,
        %get3A_1386 = vector.shape_cast %get3A_1385 : vector<1x16xf32> to vector<16xf32>
        %mul3A_1387 = arith.mulf %get3A_1386, %gather3A_1378 : vector<16xf32>
        %swap3A_1388 = arith.index_cast %add3A_1382 : i32 to index
        %swap3A_1389 = arith.constant 0 : index
        %swap3A_1390 = tpu.vector_load %arg10[%swap3A_1388, %swap3A_1389] {strides = array<i32>} : memref<80x128xf32, #tpu.memory_space<vmem>>, vector<1x16xf32>,
        %swap3A_1391 = vector.shape_cast %swap3A_1390 : vector<1x16xf32> to vector<16xf32>
        %swap3A_1392 = vector.shape_cast %mul3A_1387 : vector<16xf32> to vector<1x16xf32>
        tpu.vector_store %arg10[%swap3A_1388, %swap3A_1389], %swap3A_1392 {strides = array<i32>} : memref<80x128xf32, #tpu.memory_space<vmem>>, vector<1x16xf32>,
        %get3A_1393 = arith.index_cast %add3A_1382 : i32 to index
        %get3A_1394 = arith.constant 16 : index
        %get3A_1395 = tpu.vector_load %arg10[%get3A_1393, %get3A_1394] {strides = array<i32>} : memref<80x128xf32, #tpu.memory_space<vmem>>, vector<1x16xf32>,
        %get3A_1396 = vector.shape_cast %get3A_1395 : vector<1x16xf32> to vector<16xf32>
        %mul3A_1397 = arith.mulf %get3A_1396, %gather3A_1378 : vector<16xf32>
        %swap3A_1398 = arith.index_cast %add3A_1382 : i32 to index
        %swap3A_1399 = arith.constant 16 : index
        %swap3A_1400 = tpu.vector_load %arg10[%swap3A_1398, %swap3A_1399] {strides = array<i32>} : memref<80x128xf32, #tpu.memory_space<vmem>>, vector<1x16xf32>,
        %swap3A_1401 = vector.shape_cast %swap3A_1400 : vector<1x16xf32> to vector<16xf32>
        %swap3A_1402 = vector.shape_cast %mul3A_1397 : vector<16xf32> to vector<1x16xf32>
        tpu.vector_store %arg10[%swap3A_1398, %swap3A_1399], %swap3A_1402 {strides = array<i32>} : memref<80x128xf32, #tpu.memory_space<vmem>>, vector<1x16xf32>,
        %get3A_1403 = arith.index_cast %add3A_1382 : i32 to index
        %get3A_1404 = arith.constant 32 : index
        %get3A_1405 = tpu.vector_load %arg10[%get3A_1403, %get3A_1404] {strides = array<i32>} : memref<80x128xf32, #tpu.memory_space<vmem>>, vector<1x16xf32>,
        %get3A_1406 = vector.shape_cast %get3A_1405 : vector<1x16xf32> to vector<16xf32>
        %mul3A_1407 = arith.mulf %get3A_1406, %gather3A_1378 : vector<16xf32>
        %swap3A_1408 = arith.index_cast %add3A_1382 : i32 to index
        %swap3A_1409 = arith.constant 32 : index
        %swap3A_1410 = tpu.vector_load %arg10[%swap3A_1408, %swap3A_1409] {strides = array<i32>} : memref<80x128xf32, #tpu.memory_space<vmem>>, vector<1x16xf32>,
        %swap3A_1411 = vector.shape_cast %swap3A_1410 : vector<1x16xf32> to vector<16xf32>
        %swap3A_1412 = vector.shape_cast %mul3A_1407 : vector<16xf32> to vector<1x16xf32>
        tpu.vector_store %arg10[%swap3A_1408, %swap3A_1409], %swap3A_1412 {strides = array<i32>} : memref<80x128xf32, #tpu.memory_space<vmem>>, vector<1x16xf32>,
        %get3A_1413 = arith.index_cast %add3A_1382 : i32 to index
        %get3A_1414 = arith.constant 48 : index
        %get3A_1415 = tpu.vector_load %arg10[%get3A_1413, %get3A_1414] {strides = array<i32>} : memref<80x128xf32, #tpu.memory_space<vmem>>, vector<1x16xf32>,
        %get3A_1416 = vector.shape_cast %get3A_1415 : vector<1x16xf32> to vector<16xf32>
        %mul3A_1417 = arith.mulf %get3A_1416, %gather3A_1378 : vector<16xf32>
        %swap3A_1418 = arith.index_cast %add3A_1382 : i32 to index
        %swap3A_1419 = arith.constant 48 : index
        %swap3A_1420 = tpu.vector_load %arg10[%swap3A_1418, %swap3A_1419] {strides = array<i32>} : memref<80x128xf32, #tpu.memory_space<vmem>>, vector<1x16xf32>,
        %swap3A_1421 = vector.shape_cast %swap3A_1420 : vector<1x16xf32> to vector<16xf32>
        %swap3A_1422 = vector.shape_cast %mul3A_1417 : vector<16xf32> to vector<1x16xf32>
        tpu.vector_store %arg10[%swap3A_1418, %swap3A_1419], %swap3A_1422 {strides = array<i32>} : memref<80x128xf32, #tpu.memory_space<vmem>>, vector<1x16xf32>,
        %get3A_1423 = arith.index_cast %add3A_1382 : i32 to index
        %get3A_1424 = arith.constant 64 : index
        %get3A_1425 = tpu.vector_load %arg10[%get3A_1423, %get3A_1424] {strides = array<i32>} : memref<80x128xf32, #tpu.memory_space<vmem>>, vector<1x16xf32>,
        %get3A_1426 = vector.shape_cast %get3A_1425 : vector<1x16xf32> to vector<16xf32>
        %mul3A_1427 = arith.mulf %get3A_1426, %gather3A_1378 : vector<16xf32>
        %swap3A_1428 = arith.index_cast %add3A_1382 : i32 to index
        %swap3A_1429 = arith.constant 64 : index
        %swap3A_1430 = tpu.vector_load %arg10[%swap3A_1428, %swap3A_1429] {strides = array<i32>} : memref<80x128xf32, #tpu.memory_space<vmem>>, vector<1x16xf32>,
        %swap3A_1431 = vector.shape_cast %swap3A_1430 : vector<1x16xf32> to vector<16xf32>
        %swap3A_1432 = vector.shape_cast %mul3A_1427 : vector<16xf32> to vector<1x16xf32>
        tpu.vector_store %arg10[%swap3A_1428, %swap3A_1429], %swap3A_1432 {strides = array<i32>} : memref<80x128xf32, #tpu.memory_space<vmem>>, vector<1x16xf32>,
        %get3A_1433 = arith.index_cast %add3A_1382 : i32 to index
        %get3A_1434 = arith.constant 80 : index
        %get3A_1435 = tpu.vector_load %arg10[%get3A_1433, %get3A_1434] {strides = array<i32>} : memref<80x128xf32, #tpu.memory_space<vmem>>, vector<1x16xf32>,
        %get3A_1436 = vector.shape_cast %get3A_1435 : vector<1x16xf32> to vector<16xf32>
        %mul3A_1437 = arith.mulf %get3A_1436, %gather3A_1378 : vector<16xf32>
        %swap3A_1438 = arith.index_cast %add3A_1382 : i32 to index
        %swap3A_1439 = arith.constant 80 : index
        %swap3A_1440 = tpu.vector_load %arg10[%swap3A_1438, %swap3A_1439] {strides = array<i32>} : memref<80x128xf32, #tpu.memory_space<vmem>>, vector<1x16xf32>,
        %swap3A_1441 = vector.shape_cast %swap3A_1440 : vector<1x16xf32> to vector<16xf32>
        %swap3A_1442 = vector.shape_cast %mul3A_1437 : vector<16xf32> to vector<1x16xf32>
        tpu.vector_store %arg10[%swap3A_1438, %swap3A_1439], %swap3A_1442 {strides = array<i32>} : memref<80x128xf32, #tpu.memory_space<vmem>>, vector<1x16xf32>,
        %get3A_1443 = arith.index_cast %add3A_1382 : i32 to index
        %get3A_1444 = arith.constant 96 : index
        %get3A_1445 = tpu.vector_load %arg10[%get3A_1443, %get3A_1444] {strides = array<i32>} : memref<80x128xf32, #tpu.memory_space<vmem>>, vector<1x16xf32>,
        %get3A_1446 = vector.shape_cast %get3A_1445 : vector<1x16xf32> to vector<16xf32>
        %mul3A_1447 = arith.mulf %get3A_1446, %gather3A_1378 : vector<16xf32>
        %swap3A_1448 = arith.index_cast %add3A_1382 : i32 to index
        %swap3A_1449 = arith.constant 96 : index
        %swap3A_1450 = tpu.vector_load %arg10[%swap3A_1448, %swap3A_1449] {strides = array<i32>} : memref<80x128xf32, #tpu.memory_space<vmem>>, vector<1x16xf32>,
        %swap3A_1451 = vector.shape_cast %swap3A_1450 : vector<1x16xf32> to vector<16xf32>
        %swap3A_1452 = vector.shape_cast %mul3A_1447 : vector<16xf32> to vector<1x16xf32>
        tpu.vector_store %arg10[%swap3A_1448, %swap3A_1449], %swap3A_1452 {strides = array<i32>} : memref<80x128xf32, #tpu.memory_space<vmem>>, vector<1x16xf32>,
        %get3A_1453 = arith.index_cast %add3A_1382 : i32 to index
        %get3A_1454 = arith.constant 112 : index
        %get3A_1455 = tpu.vector_load %arg10[%get3A_1453, %get3A_1454] {strides = array<i32>} : memref<80x128xf32, #tpu.memory_space<vmem>>, vector<1x16xf32>,
        %get3A_1456 = vector.shape_cast %get3A_1455 : vector<1x16xf32> to vector<16xf32>
        %mul3A_1457 = arith.mulf %get3A_1456, %gather3A_1378 : vector<16xf32>
        %swap3A_1458 = arith.index_cast %add3A_1382 : i32 to index
        %swap3A_1459 = arith.constant 112 : index
        %swap3A_1460 = tpu.vector_load %arg10[%swap3A_1458, %swap3A_1459] {strides = array<i32>} : memref<80x128xf32, #tpu.memory_space<vmem>>, vector<1x16xf32>,
        %swap3A_1461 = vector.shape_cast %swap3A_1460 : vector<1x16xf32> to vector<16xf32>
        %swap3A_1462 = vector.shape_cast %mul3A_1457 : vector<16xf32> to vector<1x16xf32>
        tpu.vector_store %arg10[%swap3A_1458, %swap3A_1459], %swap3A_1462 {strides = array<i32>} : memref<80x128xf32, #tpu.memory_space<vmem>>, vector<1x16xf32>,
      }
      %scan3A_52 = arith.constant 5 : i32
      "tpu.region"() ({
        %run_scoped3A = tpu.sem_alloc : memref<!tpu.dma_semaphore, #tpu.memory_space<semaphore_mem>>
        %dma_start3A_53 = arith.constant 0 : i32
        %dma_start3A_54 = arith.constant 0 : i32
        %dma_start3A_55 = tpu.memref_slice %arg12[%dma_start3A_53, %dma_start3A_54] : memref<10240x128xf32, #tpu.memory_space<vmem_shared>> -> memref<10240x128xf32, #tpu.memory_space<vmem_shared>>
        tpu.enqueue_indirect_dma source(%arg10 : memref<80x128xf32, #tpu.memory_space<vmem>>) target(%dma_start3A_55 : memref<10240x128xf32, #tpu.memory_space<vmem_shared>>) offsets(%arg8 : memref<80xi32, #tpu.memory_space<vmem>>) semaphore(%run_scoped3A : memref<!tpu.dma_semaphore, #tpu.memory_space<semaphore_mem>>) {add = true}
        %dma_wait3A_56 = arith.constant 0 : i32
        %dma_wait3A_57 = arith.constant 0 : i32
        %dma_wait3A_58 = tpu.memref_slice %arg12[%dma_wait3A_56, %dma_wait3A_57] : memref<10240x128xf32, #tpu.memory_space<vmem_shared>> -> memref<10240x128xf32, #tpu.memory_space<vmem_shared>>
        tpu.wait_indirect_dma semaphore(%run_scoped3A : memref<!tpu.dma_semaphore, #tpu.memory_space<semaphore_mem>>) src(%arg10 : memref<80x128xf32, #tpu.memory_space<vmem>>) dst(%dma_wait3A_58 : memref<10240x128xf32, #tpu.memory_space<vmem_shared>>)
        tpu.yield
      }) : () -> ()
    }
    %scan3A_33 = arith.constant 125 : i32
    %barrier3A_34 = arith.constant 0 : index
    tpu.barrier barrier_id(%barrier3A_34)
    %mul3A_35 = arith.constant 640 : i32
    %mul3A_36 = arith.muli %arg1, %mul3A_35 : i32
    %mul3A_37 = arith.constant 640 : i32
    %mul3A_38 = arith.muli %arg1, %mul3A_37 : i32
    "tpu.region"() ({
      %run_scoped3A = tpu.sem_alloc : memref<!tpu.dma_semaphore, #tpu.memory_space<semaphore_mem>>
      %dma_start3A = arith.constant 0 : i32
      %dma_start3A_39 = tpu.memref_slice %arg6[%arg0, %mul3A_38, %dma_start3A] : memref<2x10240x128xf32, #tpu.memory_space<hbm>> -> memref<1x640x128xf32, #tpu.memory_space<hbm>>
      %dma_start3A_40 = tpu.memref_squeeze %dma_start3A_39 : memref<1x640x128xf32, #tpu.memory_space<hbm>> -> memref<640x128xf32, #tpu.memory_space<hbm>>
      %dma_start3A_41 = arith.constant 0 : i32
      %dma_start3A_42 = tpu.memref_slice %arg12[%mul3A_36, %dma_start3A_41] : memref<10240x128xf32, #tpu.memory_space<vmem_shared>> -> memref<640x128xf32, #tpu.memory_space<vmem_shared>>
      tpu.enqueue_dma source(%dma_start3A_42 : memref<640x128xf32, #tpu.memory_space<vmem_shared>>) target(%dma_start3A_40 : memref<640x128xf32, #tpu.memory_space<hbm>>) target_semaphore(%run_scoped3A : memref<!tpu.dma_semaphore, #tpu.memory_space<semaphore_mem>>)
      %dma_wait3A = arith.constant 0 : i32
      %dma_wait3A_43 = tpu.memref_slice %arg6[%arg0, %mul3A_38, %dma_wait3A] : memref<2x10240x128xf32, #tpu.memory_space<hbm>> -> memref<1x640x128xf32, #tpu.memory_space<hbm>>
      %dma_wait3A_44 = tpu.memref_squeeze %dma_wait3A_43 : memref<1x640x128xf32, #tpu.memory_space<hbm>> -> memref<640x128xf32, #tpu.memory_space<hbm>>
      %dma_wait3A_45 = arith.constant 0 : i32
      %dma_wait3A_46 = tpu.memref_slice %arg12[%mul3A_36, %dma_wait3A_45] : memref<10240x128xf32, #tpu.memory_space<vmem_shared>> -> memref<640x128xf32, #tpu.memory_space<vmem_shared>>
      tpu.wait_dma2 semaphore(%run_scoped3A : memref<!tpu.dma_semaphore, #tpu.memory_space<semaphore_mem>>) src(%dma_wait3A_46 : memref<640x128xf32, #tpu.memory_space<vmem_shared>>) dst(%dma_wait3A_44 : memref<640x128xf32, #tpu.memory_space<hbm>>)
      tpu.yield
    }) : () -> ()
    return
  }
}

module attributes {stable_mosaic.version = 14 : i64} {
  func.func @_matmul_body(%arg0: i32, %arg1: memref<1000x128xf32, #tpu.memory_space<vmem>>, %arg2: memref<128x128xf32, #tpu.memory_space<vmem>>, %arg3: memref<1000x128xf32, #tpu.memory_space<vmem>>) attributes {dimension_semantics = [#tpu.dimension_semantics<arbitrary>], iteration_bounds = array<i64: 10>, scalar_prefetch = 0 : i64, scratch_operands = 0 : i64, tpu.core_type = #tpu.core_type<tc>, window_params = [{transform_indices = @transform_0, window_bounds = array<i64: 1000, 128>}, {pipeline_mode = #tpu.pipeline_mode<synchronous>, transform_indices = @transform_1, window_bounds = array<i64: 128, 128>}, {transform_indices = @transform_2, window_bounds = array<i64: 1000, 128>}]} {
    %get3A = arith.constant 0 : index
    %get3A_0 = arith.constant 0 : index
    %get3A_1 = vector.load %arg1[%get3A, %get3A_0] : memref<1000x128xf32, #tpu.memory_space<vmem>>, vector<1000x128xf32>
    %get3A_2 = arith.constant 0 : index
    %get3A_3 = arith.constant 0 : index
    %get3A_4 = vector.load %arg2[%get3A_2, %get3A_3] : memref<128x128xf32, #tpu.memory_space<vmem>>, vector<128x128xf32>
    %dot_general3A = arith.constant dense<0.000000e+00> : vector<1000x128xf32>
    %dot_general3A_5 = tpu.matmul %get3A_1, %get3A_4, %dot_general3A {dimension_numbers = #tpu.dot_dimension_numbers<[1], [0], [0], [1], [0, 0, 1, 1], [], []>, transpose_lhs_hint = false} : vector<1000x128xf32>, vector<128x128xf32>, vector<1000x128xf32> -> vector<1000x128xf32>
    %swap3A = arith.constant 0 : index
    %swap3A_6 = arith.constant 0 : index
    %swap3A_7 = vector.load %arg3[%swap3A, %swap3A_6] : memref<1000x128xf32, #tpu.memory_space<vmem>>, vector<1000x128xf32>
    tpu.vector_store %arg3[%swap3A, %swap3A_6], %dot_general3A_5 {strides = array<i32>} : memref<1000x128xf32, #tpu.memory_space<vmem>>, vector<1000x128xf32>,
    return
  }
  func.func @transform_0(%arg0: i32) -> (i32, i32) {
    %c0_i32 = arith.constant 0 : i32
    %c0_i32_0 = arith.constant 0 : i32
    return %arg0, %c0_i32 : i32, i32
  }
  func.func @transform_1(%arg0: i32) -> (i32, i32) {
    %c0_i32 = arith.constant 0 : i32
    %c0_i32_0 = arith.constant 0 : i32
    %c0_i32_1 = arith.constant 0 : i32
    return %c0_i32, %c0_i32_0 : i32, i32
  }
  func.func @transform_2(%arg0: i32) -> (i32, i32) {
    %c0_i32 = arith.constant 0 : i32
    %c0_i32_0 = arith.constant 0 : i32
    return %arg0, %c0_i32 : i32, i32
  }
}

module attributes {stable_mosaic.version = 14 : i64} {
  func.func @_epi_body(%arg0: i32, %arg1: memref<1000x128xf32, #tpu.memory_space<vmem>>, %arg2: memref<1000x128xf32, #tpu.memory_space<vmem>>, %arg3: memref<1x128xf32, #tpu.memory_space<vmem>>, %arg4: memref<1x128xf32, #tpu.memory_space<vmem>>, %arg5: memref<1x128xf32, #tpu.memory_space<vmem>>, %arg6: memref<1000x128xf32, #tpu.memory_space<vmem>>) attributes {dimension_semantics = [#tpu.dimension_semantics<arbitrary>], iteration_bounds = array<i64: 10>, scalar_prefetch = 0 : i64, scratch_operands = 0 : i64, tpu.core_type = #tpu.core_type<tc>, window_params = [{transform_indices = @transform_0, window_bounds = array<i64: 1000, 128>}, {transform_indices = @transform_1, window_bounds = array<i64: 1000, 128>}, {pipeline_mode = #tpu.pipeline_mode<synchronous>, transform_indices = @transform_2, window_bounds = array<i64: 1, 128>}, {pipeline_mode = #tpu.pipeline_mode<synchronous>, transform_indices = @transform_3, window_bounds = array<i64: 1, 128>}, {pipeline_mode = #tpu.pipeline_mode<synchronous>, transform_indices = @transform_4, window_bounds = array<i64: 1, 128>}, {transform_indices = @transform_5, window_bounds = array<i64: 1000, 128>}]} {
    %get3A = arith.constant 0 : index
    %get3A_0 = arith.constant 0 : index
    %get3A_1 = vector.load %arg1[%get3A, %get3A_0] : memref<1000x128xf32, #tpu.memory_space<vmem>>, vector<1000x128xf32>
    %get3A_2 = arith.constant 0 : index
    %get3A_3 = arith.constant 0 : index
    %get3A_4 = vector.load %arg2[%get3A_2, %get3A_3] : memref<1000x128xf32, #tpu.memory_space<vmem>>, vector<1000x128xf32>
    %add3A = arith.addf %get3A_1, %get3A_4 : vector<1000x128xf32>
    %get3A_5 = arith.constant 0 : index
    %get3A_6 = arith.constant 0 : index
    %get3A_7 = vector.load %arg3[%get3A_5, %get3A_6] : memref<1x128xf32, #tpu.memory_space<vmem>>, vector<1x128xf32>
    %add3A_8 = vector.broadcast %get3A_7 : vector<1x128xf32> to vector<1000x128xf32>
    %add3A_9 = arith.addf %add3A, %add3A_8 : vector<1000x128xf32>
    %gt3A = arith.constant 0.000000e+00 : f32
    %gt3A_10 = vector.broadcast %gt3A : f32 to vector<1000x128xf32>
    %gt3A_11 = arith.cmpf ogt, %add3A_9, %gt3A_10 : vector<1000x128xf32>
    %min3A = arith.constant 0.000000e+00 : f32
    %min3A_12 = vector.broadcast %min3A : f32 to vector<1000x128xf32>
    %min3A_13 = arith.minimumf %add3A_9, %min3A_12 : vector<1000x128xf32>
    %exp3A = math.exp %min3A_13 : vector<1000x128xf32>
    %sub3A = arith.constant 1.000000e+00 : f32
    %sub3A_14 = vector.broadcast %sub3A : f32 to vector<1000x128xf32>
    %sub3A_15 = arith.subf %exp3A, %sub3A_14 : vector<1000x128xf32>
    %select_n3A = arith.select %gt3A_11, %add3A_9, %sub3A_15 : vector<1000x128xi1>, vector<1000x128xf32>
    %reduce_sum3A = arith.constant dense<0.000000e+00> : vector<1000xf32>
    %reduce_sum3A_16 = vector.multi_reduction <add>, %select_n3A, %reduce_sum3A [1] : vector<1000x128xf32> to vector<1000xf32>
    %broadcast_in_dim3A = vector.shape_cast %reduce_sum3A_16 : vector<1000xf32> to vector<1000x1xf32>
    %div3A = arith.constant 1.280000e+02 : f32
    %div3A_17 = vector.broadcast %div3A : f32 to vector<1000x1xf32>
    %div3A_18 = arith.divf %broadcast_in_dim3A, %div3A_17 : vector<1000x1xf32>
    %sub3A_19 = vector.broadcast %div3A_18 : vector<1000x1xf32> to vector<1000x128xf32>
    %sub3A_20 = arith.subf %select_n3A, %sub3A_19 : vector<1000x128xf32>
    %integer_pow3A = arith.mulf %sub3A_20, %sub3A_20 : vector<1000x128xf32>
    %reduce_sum3A_21 = arith.constant dense<0.000000e+00> : vector<1000xf32>
    %reduce_sum3A_22 = vector.multi_reduction <add>, %integer_pow3A, %reduce_sum3A_21 [1] : vector<1000x128xf32> to vector<1000xf32>
    %broadcast_in_dim3A_23 = vector.shape_cast %reduce_sum3A_22 : vector<1000xf32> to vector<1000x1xf32>
    %div3A_24 = arith.constant 1.280000e+02 : f32
    %div3A_25 = vector.broadcast %div3A_24 : f32 to vector<1000x1xf32>
    %div3A_26 = arith.divf %broadcast_in_dim3A_23, %div3A_25 : vector<1000x1xf32>
    %sub3A_27 = vector.broadcast %div3A_18 : vector<1000x1xf32> to vector<1000x128xf32>
    %sub3A_28 = arith.subf %select_n3A, %sub3A_27 : vector<1000x128xf32>
    %add3A_29 = arith.constant 9.99999974E-6 : f32
    %add3A_30 = vector.broadcast %add3A_29 : f32 to vector<1000x1xf32>
    %add3A_31 = arith.addf %div3A_26, %add3A_30 : vector<1000x1xf32>
    %rsqrt3A = math.rsqrt %add3A_31 : vector<1000x1xf32>
    %mul3A = vector.broadcast %rsqrt3A : vector<1000x1xf32> to vector<1000x128xf32>
    %mul3A_32 = arith.mulf %sub3A_28, %mul3A : vector<1000x128xf32>
    %get3A_33 = arith.constant 0 : index
    %get3A_34 = arith.constant 0 : index
    %get3A_35 = vector.load %arg4[%get3A_33, %get3A_34] : memref<1x128xf32, #tpu.memory_space<vmem>>, vector<1x128xf32>
    %mul3A_36 = vector.broadcast %get3A_35 : vector<1x128xf32> to vector<1000x128xf32>
    %mul3A_37 = arith.mulf %mul3A_32, %mul3A_36 : vector<1000x128xf32>
    %get3A_38 = arith.constant 0 : index
    %get3A_39 = arith.constant 0 : index
    %get3A_40 = vector.load %arg5[%get3A_38, %get3A_39] : memref<1x128xf32, #tpu.memory_space<vmem>>, vector<1x128xf32>
    %add3A_41 = vector.broadcast %get3A_40 : vector<1x128xf32> to vector<1000x128xf32>
    %add3A_42 = arith.addf %mul3A_37, %add3A_41 : vector<1000x128xf32>
    %swap3A = arith.constant 0 : index
    %swap3A_43 = arith.constant 0 : index
    %swap3A_44 = vector.load %arg6[%swap3A, %swap3A_43] : memref<1000x128xf32, #tpu.memory_space<vmem>>, vector<1000x128xf32>
    tpu.vector_store %arg6[%swap3A, %swap3A_43], %add3A_42 {strides = array<i32>} : memref<1000x128xf32, #tpu.memory_space<vmem>>, vector<1000x128xf32>,
    return
  }
  func.func @transform_0(%arg0: i32) -> (i32, i32) {
    %c0_i32 = arith.constant 0 : i32
    %c0_i32_0 = arith.constant 0 : i32
    return %arg0, %c0_i32 : i32, i32
  }
  func.func @transform_1(%arg0: i32) -> (i32, i32) {
    %c0_i32 = arith.constant 0 : i32
    %c0_i32_0 = arith.constant 0 : i32
    return %arg0, %c0_i32 : i32, i32
  }
  func.func @transform_2(%arg0: i32) -> (i32, i32) {
    %c0_i32 = arith.constant 0 : i32
    %c0_i32_0 = arith.constant 0 : i32
    %c0_i32_1 = arith.constant 0 : i32
    return %c0_i32, %c0_i32_0 : i32, i32
  }
  func.func @transform_3(%arg0: i32) -> (i32, i32) {
    %c0_i32 = arith.constant 0 : i32
    %c0_i32_0 = arith.constant 0 : i32
    %c0_i32_1 = arith.constant 0 : i32
    return %c0_i32, %c0_i32_0 : i32, i32
  }
  func.func @transform_4(%arg0: i32) -> (i32, i32) {
    %c0_i32 = arith.constant 0 : i32
    %c0_i32_0 = arith.constant 0 : i32
    %c0_i32_1 = arith.constant 0 : i32
    return %c0_i32, %c0_i32_0 : i32, i32
  }
  func.func @transform_5(%arg0: i32) -> (i32, i32) {
    %c0_i32 = arith.constant 0 : i32
    %c0_i32_0 = arith.constant 0 : i32
    return %arg0, %c0_i32 : i32, i32
  }
}

</mosaic_0001>

<sc_bundles>
// kernel: kernel.5.cloned.1.call-start
scs
__scs_entry_jumppad:
0x0: {  	(pc) =	sbr.rel $0x88, $3  }
0x1: {  	(tag) =	ssettag $0x0;
	lr =	simm.s32 $0x1  }
0x2: {  	[smem:$0x3F9A] =	sst lr;
	_ =	strace $0xD0000000  }
0x3: {  	_ = 	snop  }
0x4: {  	_ = 	snop  }
0x5: {  	_ = 	snop  }
0x6: {  	_ = 	snop  }
0x7: {  	_ = 	snop  }
__scs_overlays_trampoline_lowered:
0x8: {  	[smem:$0x3FA9] =	sst s0  }
0x9: {  	[smem:$0x3FAA] =	sst s1  }
0xa: {  	[smem:$0x3FAB] =	sst s2  }
0xb: {  	[smem:$0x3FAC] =	sst s3  }
0xc: {  	[smem:$0x3FAD] =	sst s4  }
0xd: {  	[smem:$0x3FAE] =	sst s5  }
0xe: {  	[smem:$0x3FAF] =	sst s6  }
0xf: {  	[smem:$0x3FB0] =	sst s7  }
0x10: {  	[smem:$0x3FB1] =	sst s8  }
0x11: {  	[smem:$0x3FB2] =	sst s9;
	s0 =	simm.s32 @!p0 $0x0  }
0x12: {  	s1 =	sld [smem:$0x3F98];
	s0 =	simm.s32 @p0 $0x1  }
0x13: {  	[smem:$0x3FB3] =	sst s0;
	s0 =	simm.s32 @!p1 $0x0  }
0x14: {  	s2 =	sld [smem:$0x3F97];
	s0 =	simm.s32 @p1 $0x1  }
0x15: {  	[smem:$0x3FB4] =	sst s0;
	s0 =	simm.s32 @!p2 $0x0  }
0x16: {  	s3 =	sld [smem:$0x3FDB];
	s0 =	simm.s32 @p2 $0x1  }
0x17: {  	s4 =	simm.s32 $0x1BF5;
	[smem:$0x3FB6] =	sst s0  }
0x18: {  	s0 =	sld [smem:$0x3F99];
	_ =	swait.ge [sflag:s4], $0x0  }
0x19: {  	s7 =	sld [smem:$0x3F9A]  }
0x1a: {  	s8 =	sadd.s32 $0xFFFFE003, lr  }
0x1b: {  	s9 =	sadd.s32 $0xFFFFFEF7, lr;
	s5 =	simm.s32 $0xFFFFFFFF;
	p2 =	slt.u32 s8, $0xFFFFF086  }
0x1c: {  	p1 =	slt.u32 s9, $0xF7A;
	s5 =	simm.s32 @!p2 $0x0  }
0x1d: {  	s5 =	simm.s32 @p1 $0x1;
	p0 =	seq.s32 s7, s2  }
0x1e: {  	s7 =	smul.u32 @!p0 $0xF7A, s2;
	p2 =	seq.s32 @!p0 s5, $0x0  }
0x1f: {  	s9 =	smul.u32 $0xF7A, s1;
	s8 =	simm.s32 @!p0 $0x1BF5;
	p2 =	por !p2, p0  }
0x20: {  	[sflag:s8] =	ssyncset.s32 @!p0 $0xFFFFF086;
	s6 =	sadd.s32 @!p0 s3, s7;
	s7 =	simm.s32 @!p0 $0x108  }
0x21: {  	s3 =	sadd.s32 s3, s9;
	s6 =	sadd.s32 @!p0 $0x88, s6;
	s7 =	simm.s32 @p2 $0x1082  }
0x22: {  	[simem:s7], [sflag:s8] =	dma.local @!p0 [hbm:s6], $0xF7A  }
0x23: {  	s9 =	sor.u32 $0xD0000000, s2;
	s6 =	simm.s32 $0x108;
	_ =	swait.ge @!p0 [sflag:s8], $0x0  }
0x24: {  	s3 =	sadd.s32 $0x88, s3;
	s6 =	simm.s32 @!p1 $0x1082;
	[sflag:s4] =	ssyncset.s32 $0xFFFFF086  }
0x25: {  	[simem:s6], [sflag:s4] =	dma.local [hbm:s3], $0xF7A  }
0x26: {  	[smem:$0x3F9A] =	sst s1;
	(tag) =	ssettag s2;
	_ =	strace s9  }
0x27: {  	s1 =	sld [smem:$0x3FAA]  }
0x28: {  	s2 =	sld [smem:$0x3FAB]  }
0x29: {  	s4 =	sld [smem:$0x3FAD]  }
0x2a: {  	p0 =	seq.s32 s5, $0x0;
	s5 =	sld [smem:$0x3FAE]  }
0x2b: {  	s6 =	sld [smem:$0x3FAF]  }
0x2c: {  	s7 =	sld [smem:$0x3FB0]  }
0x2d: {  	s3 =	simm.s32 $0x108;
	s8 =	sld [smem:$0x3FB1]  }
0x2e: {  	s3 =	simm.s32 @!p0 $0x1082;
	s9 =	sld [smem:$0x3FB2]  }
0x2f: {  	lr =	sadd.s32 s0, s3;
	s0 =	sld [smem:$0x3FA9]  }
0x30: {  	s3 =	sld [smem:$0x3FAC]  }
0x31: {  	[smem:$0x3FB5] =	sst s10  }
0x32: {  	s10 =	sld [smem:$0x3FB3];
	_ =	sdelay $0x3  }
0x33: {  	p0 =	seq.s32 s10, $0x1;
	s10 =	sld [smem:$0x3FB5];
	_ =	sdelay $0x3  }
0x34: {  	[smem:$0x3FB5] =	sst s10  }
0x35: {  	s10 =	sld [smem:$0x3FB4];
	_ =	sdelay $0x3  }
0x36: {  	p1 =	seq.s32 s10, $0x1;
	s10 =	sld [smem:$0x3FB5];
	_ =	sdelay $0x3  }
0x37: {  	[smem:$0x3FB5] =	sst s10  }
0x38: {  	s10 =	sld [smem:$0x3FB6]  }
0x39: {  	_ = 	snop;
	(pc) =	sbr.ind lr, $3  }
0x3a: {  	_ = 	snop  }
0x3b: {  	_ = 	snop  }
0x3c: {  	p2 =	seq.s32 s10, $0x1;
	s10 =	sld [smem:$0x3FB5]  }
0x3d: {  	_ =	shalt  }
0x3e: {  	_ =	shalt  }
0x3f: {  	_ =	shalt  }
0x40: {  	_ =	shalt  }
0x41: {  	_ =	shalt  }
0x42: {  	_ =	shalt  }
0x43: {  	_ =	shalt  }
0x44: {  	_ =	shalt  }
0x45: {  	_ =	shalt  }
0x46: {  	_ =	shalt  }
0x47: {  	_ =	shalt  }
0x48: {  	_ =	shalt  }
0x49: {  	_ =	shalt  }
0x4a: {  	_ =	shalt  }
0x4b: {  	_ =	shalt  }
0x4c: {  	_ =	shalt  }
0x4d: {  	_ =	shalt  }
0x4e: {  	_ =	shalt  }
0x4f: {  	_ =	shalt  }
0x50: {  	_ =	shalt  }
0x51: {  	_ =	shalt  }
0x52: {  	_ =	shalt  }
0x53: {  	_ =	shalt  }
0x54: {  	_ =	shalt  }
0x55: {  	_ =	shalt  }
0x56: {  	_ =	shalt  }
0x57: {  	_ =	shalt  }
0x58: {  	_ =	shalt  }
0x59: {  	_ =	shalt  }
0x5a: {  	_ =	shalt  }
0x5b: {  	_ =	shalt  }
0x5c: {  	_ =	shalt  }
0x5d: {  	_ =	shalt  }
0x5e: {  	_ =	shalt  }
0x5f: {  	_ =	shalt  }
0x60: {  	_ =	shalt  }
0x61: {  	_ =	shalt  }
0x62: {  	_ =	shalt  }
0x63: {  	_ =	shalt  }
0x64: {  	_ =	shalt  }
0x65: {  	_ =	shalt  }
0x66: {  	_ =	shalt  }
0x67: {  	_ =	shalt  }
0x68: {  	_ =	shalt  }
0x69: {  	_ =	shalt  }
0x6a: {  	_ =	shalt  }
0x6b: {  	_ =	shalt  }
0x6c: {  	_ =	shalt  }
0x6d: {  	_ =	shalt  }
0x6e: {  	_ =	shalt  }
0x6f: {  	_ =	shalt  }
0x70: {  	_ =	shalt  }
0x71: {  	_ =	shalt  }
0x72: {  	_ =	shalt  }
0x73: {  	_ =	shalt  }
0x74: {  	_ =	shalt  }
0x75: {  	_ =	shalt  }
0x76: {  	_ =	shalt  }
0x77: {  	_ =	shalt  }
0x78: {  	_ =	shalt  }
0x79: {  	_ =	shalt  }
0x7a: {  	_ =	shalt  }
0x7b: {  	_ =	shalt  }
0x7c: {  	_ =	shalt  }
0x7d: {  	_ =	shalt  }
0x7e: {  	_ =	shalt  }
0x7f: {  	_ =	shalt  }
0x80: {  	_ =	shalt  }
0x81: {  	_ =	shalt  }
0x82: {  	_ =	shalt  }
0x83: {  	_ =	shalt  }
0x84: {  	_ =	shalt  }
0x85: {  	_ =	shalt  }
0x86: {  	_ =	shalt  }
0x87: {  	_ =	shalt  }
.Lfunc_end0:
.L_simem_size_0:
called_computation_lowered:
.L_overlay_start_0:
0x88: {  	s2 =	sld [smem:$0x3FD9]  }
0x89: {  	s3 =	sld [smem:$0x3FFE];
	_ =	sdelay $0x1  }
0x8a: {  	s1 =	srdreg.scid  }
0x8b: {  	s0 =	sand.u32 $0x1, s1  }
0x8c: {  	s17 =	sshll.u32 s0, $0xA;
	s2 =	sadd.s32 s3, s2  }
0x8d: {  	s2 =	sadd.s32 s2, s17  }
0x8e: {  	[smem:$0x3FC1] =	sst s2  }
0x8f: {  	_ = 	snop  }
0x90: {  	s2 =	sld [smem:$0x3FC8]  }
0x91: {  	s18 =	sld [smem:$0x3FD0];
	(tm) =	ssettm $0x1  }
0x92: {  	s4 =	sld [smem:$0x3FFB];
	_ =	sdelay $0x3  }
0x93: {  	_ =	strace s4  }
0x94: {  	s4 =	sld [smem:$0x3FFC];
	_ =	sdelay $0x3  }
0x95: {  	_ =	strace s4  }
0x96: {  	s4 =	sld [smem:$0x3FFD];
	_ =	sdelay $0x3  }
0x97: {  	_ =	strace s4  }
0x98: {  	_ =	strace $0x8FFFFFFF  }
0x99: {  	s19 =	sld [smem:$0x3FDB];
	_ =	sdelay $0x1  }
0x9a: {  	s5 =	simm.s32 $_scs_section_size  }
0x9b: {  	s6 =	simm.s32 $_size__tile_overlayer_lowered;
	s7 =	simm.s32 $_tile_overlayer_lowered  }
0x9c: {  	s22 =	simm.s32 $0x1BFF;
	s21 =	sshll.u32 s7, $0x1;
	s4 =	sadd.s32 s5, s19  }
0x9d: {  	s8 =	simm.s32 $0x0;
	s20 =	sshll.u32 s6, $0x1;
	s6 =	sadd.s32 s21, s4  }
0x9e: {  	[timem:s8], [sflag:s22] =	dma.local [hbm:s6], s20  }
0x9f: {  	_ =	swait.ge [sflag:s22], s20  }
0xa0: {  	s5 =	ssub.s32 $0x0, s20;
	[sflag:s22] =	ssyncset.done $0x0  }
0xa1: {  	[sflag:s22] =	ssyncadd.s32 s5;
	_ =	sdelay $0x1  }
0xa2: {  	s23 =	simm.s32 $0x1B8B  }
0xa3: {  	_ =	swait.ge [sflag:s23], $0x1  }
0xa4: {  	[sflag:s23] =	ssyncset.done $0x0  }
0xa5: {  	s25 =	simm.s32 $0x1B8E;
	s24 =	sld [smem:$0x3FFE];
	[sflag:s23] =	ssyncadd.s32 $0xFFFFFFFF  }
0xa6: {  	s26 =	simm.s32 $execute0_lowered;
	[smem:$0x3FD2] =	sst s25  }
0xa7: {  	s6 =	sshll.u32 s26, $0x1;
	_ =	strace $0x80000046;
	[dreg:$0x1] =	wrdreg $0xFFFFFFFF  }
0xa8: {  	s28 =	simm.s32 $_size_execute0_lowered;
	s4 =	sadd.s32 s4, s6;
	[dreg:$0x0] =	wrdreg $0x0  }
0xa9: {  	s6 =	sshll.u32 s28, $0x1;
	[dreg:$0x2] =	wrdreg s4  }
0xaa: {  	[dreg:$0x3] =	wrdreg s6  }
0xab: {  	[dreg:$0x4] =	wrdreg $0xC0  }
0xac: {  	_ =	task [dreg:s8], $0x5FFFF  }
0xad: {  	[dreg:$0x1] =	wrdreg $0xFFFFFFFF  }
0xae: {  	[dreg:$0x0] =	wrdreg $0x60  }
0xaf: {  	[dreg:$0x2] =	wrdreg s18  }
0xb0: {  	[dreg:$0x3] =	wrdreg s24  }
0xb1: {  	[dreg:$0x4] =	wrdreg s2  }
0xb2: {  	[dreg:$0x5] =	wrdreg $0x69800  }
0xb3: {  	[dreg:$0x6] =	wrdreg $0x9  }
0xb4: {  	_ =	task.clear_ibuf [dreg:s8], $0x7FFFF;
	_ =	strace $0x90000046  }
0xb5: {  	s29 =	simm.s32 $0x9;
	_ =	strace $0x80000048  }
0xb6: {  	_ =	swait.ge [sflag:s29], $0x1  }
0xb7: {  	[sflag:s29] =	ssyncadd.s32 $0xFFFFFFFF  }
0xb8: {  	_ =	strace $0x90000048  }
0xb9: {  	_ =	sfence  }
0xba: {  	s30 =	sld [smem:$0x0];
	_ =	sdelay $0x2  }
0xbb: {  	s31 =	sshll.u32 s1, $0xD;
	s1 =	sshrl.u32 s1, $0x2  }
0xbc: {  	s3 =	sand.u32 $0x4000, s31;
	s1 =	sadd.s32 s1, s30  }
0xbd: {  	s0 =	sor.u32 s3, s0;
	s1 =	sshll.u32 s1, $0x11  }
0xbe: {  	s0 =	sor.u32 s1, s0  }
0xbf: {  	s0 =	sadd.s32 $0x8F2B, s0  }
0xc0: {  	[sflag:s0] =	ssyncadd.remote.s32 $0x1  }
0xc1: {  	_ =	sfence.sel $0xFFFF  }
0xc2: {  	[dreg:$0x0] =	wrdreg $0xFFFFFFFF;
	(pc) =	sbr.abs _section_cstart, $3  }
0xc3: {  	[dreg:$0x1] =	wrdreg $0xFFFFFFFF  }
0xc4: {  	_ =	task.clear_ibuf [dreg:s8], $0x2FFFF;
	_ =	strace $0x9FFFFFFF  }
0xc5: {  	(tm) =	ssettm $0x7FFFFFFF  }
tec
execute0_lowered:
.L_overlay_start_1:
0x0: {  	(tag) =	ssettag $0x1  }
0x1: {  	s1 =	rddreg [dreg:$0x0]  }
0x2: {  	s8 =	rddreg [dreg:$0x1]  }
0x3: {  	s2 =	rddreg [dreg:$0x2]  }
0x4: {  	s3 =	rddreg [dreg:$0x3]  }
0x5: {  	s4 =	srdreg.scid;
	s0 =	rddreg [dreg:$0x4];
	s5 =	simm.s32 $0x0  }
0x6: {  	s16 =	simm.s32 $0x2980;
	s17 =	simm.s32 $0x2;
	s18 =	simm.s32 $0x80  }
0x7: {  	s19 =	simm.s32 $0x100;
	s20 =	simm.s32 $0x50;
	s21 =	simm.s32 $0x180  }
0x8: {  	s22 =	simm.s32 $0x1;
	s9 =	sand.u32 $0x1, s4;
	s4 =	stileid.u32  }
0x9: {  	[smem:$0x7FF] =	sst s5;
	s6 =	sadd.s32 $0xA800, s8;
	s7 =	smul.u32 $0x140000, s9  }
0xa: {  	s10 =	smul.u32 $0x14000, s4;
	_ =	strace $0x80000047;
	s12 =	ssub.s32 $0x2, s9  }
0xb: {  	v0 =	vimm.f32 $0.0e+00;
	v1 =	vimm.s32 $0x0;
	s11 =	smul.u32 $0x50000, s4;
	s31 =	sshll.u32 s9, $0x4;
	s29 =	sshrl.u32 s12, $0x1  }
0xc: {  	v2 =	vimm.s32 $0x1;
	v3 =	vimm.s32 $0x2;
	v4 =	vimm.s32 $0x3;
	s13 =	sor.u32 s4, s31;
	s10 =	sadd.s32 s10, s7;
	s7 =	sadd.s32 $0xA00, s8  }
0xd: {  	v5 =	vimm.s32 $0x4;
	v6 =	vimm.s32 $0x5;
	v7 =	vimm.s32 $0x6;
	s30 =	sshrl.u32 s11, $0x2;
	s15 =	ssub.s32 s12, s29;
	s10 =	sshrl.u32 s10, $0x3  }
0xe: {  	v8 =	vimm.s32 $0x7;
	v9 =	vimm.s32 $0x8;
	v10 =	vimm.s32 $0x9;
	s13 =	smul.u32 $0x2710, s13;
	s14 =	sadd.s32 s10, s8;
	s8 =	sadd.s32 s30, s3  }
0xf: {  	v11 =	vimm.s32 $0xA;
	v12 =	vimm.s32 $0xB;
	v13 =	vimm.s32 $0xC;
	s15 =	smax.u32 s15, $0x1;
	s9 =	sadd.s32 $0x4000, s8;
	s10 =	sadd.s32 $0x8000, s8  }
0x10: {  	v14 =	vimm.s32 $0xD;
	v15 =	vimm.s32 $0xE;
	v16 =	vimm.s32 $0xF;
	s11 =	sadd.s32 $0xC000, s8;
	s12 =	sadd.s32 $0x10000, s8;
	s14 =	sadd.s32 $0x14600, s14  }
.LBB2_1:
0x11: {  	s23 =	simm.s32 $0x0;
	s24 =	simm.s32 $0x200  }
.LBB2_2:
0x12: {  	p0 =	sne.s32 s24, $0xFE00;
	[tilespmem:s23+$0x29F0] =	vst v0  }
0x13: {  	[tilespmem:s23+$0x2980] =	vst v0  }
0x14: {  	[tilespmem:s23+$0x2990] =	vst v0  }
.Ltmp0:
0x15: {  	[tilespmem:s23+$0x29A0] =	vst v0;
	(pc) =	sbr.rel @p0 .LBB2_2-.Ltmp0, $4  }
0x16: {  	[tilespmem:s23+$0x29B0] =	vst v0  }
0x17: {  	[tilespmem:s23+$0x29C0] =	vst v0  }
0x18: {  	[tilespmem:s23+$0x29D0] =	vst v0  }
0x19: {  	[tilespmem:s23+$0x29E0] =	vst v0;
	s23 =	sshra.s32 s24, $0x2;
	s24 =	sadd.s32 $0x200, s24  }
0x1a: {  	[tilespmem:s23+$0x29F0] =	vst v0  }
0x1b: {  	[tilespmem:s23+$0x2980] =	vst v0  }
0x1c: {  	[tilespmem:s23+$0x2990] =	vst v0  }
0x1d: {  	[tilespmem:s23+$0x29A0] =	vst v0  }
0x1e: {  	[tilespmem:s23+$0x29B0] =	vst v0  }
0x1f: {  	[tilespmem:s23+$0x29C0] =	vst v0  }
0x20: {  	[tilespmem:s23+$0x29D0] =	vst v0  }
0x21: {  	[tilespmem:s23+$0x29E0] =	vst v0  }
0x22: {  	[spmem:s8] =	stream.linear.scatter [tilespmem:s16], [sflag:$0x2], $0x4000, $0x38;
	[tilespmem:$0x1A980] =	vst v63  }
0x23: {  	_ =	swait.ge [sflag:s17], $0x4000  }
0x24: {  	[sflag:s17] =	ssyncset.done $0x0  }
0x25: {  	[sflag:s17] =	ssyncadd.s32 $0xFFFFC000  }
0x26: {  	[spmem:s9] =	stream.linear.scatter [tilespmem:s16], [sflag:$0x2], $0x4000, $0x38;
	[tilespmem:$0x1A980] =	vst v63  }
0x27: {  	_ =	swait.ge [sflag:s17], $0x4000  }
0x28: {  	[sflag:s17] =	ssyncset.done $0x0  }
0x29: {  	[sflag:s17] =	ssyncadd.s32 $0xFFFFC000  }
0x2a: {  	[spmem:s10] =	stream.linear.scatter [tilespmem:s16], [sflag:$0x2], $0x4000, $0x38;
	[tilespmem:$0x1A980] =	vst v63  }
0x2b: {  	_ =	swait.ge [sflag:s17], $0x4000  }
0x2c: {  	[sflag:s17] =	ssyncset.done $0x0  }
0x2d: {  	[sflag:s17] =	ssyncadd.s32 $0xFFFFC000  }
0x2e: {  	[spmem:s11] =	stream.linear.scatter [tilespmem:s16], [sflag:$0x2], $0x4000, $0x38;
	[tilespmem:$0x1A980] =	vst v63  }
0x2f: {  	_ =	swait.ge [sflag:s17], $0x4000  }
0x30: {  	[sflag:s17] =	ssyncset.done $0x0  }
0x31: {  	[sflag:s17] =	ssyncadd.s32 $0xFFFFC000  }
0x32: {  	[spmem:s12] =	stream.linear.scatter [tilespmem:s16], [sflag:$0x2], $0x4000, $0x38;
	[tilespmem:$0x1A980] =	vst v63  }
0x33: {  	_ =	swait.ge [sflag:s17], $0x4000  }
0x34: {  	[sflag:s17] =	ssyncset.done $0x0  }
0x35: {  	[sflag:s17] =	ssyncadd.s32 $0xFFFFC000  }
0x36: {  	s23 =	simm.s32 $0x0;
	s24 =	simm.s32 $0x0;
	[bflag:$0x0] =	sbarrier.arrive $0xFFFF  }
.LBB2_4:
0x37: {  	s25 =	smul.u32 $0x50, s24;
	_ =	sdelay $0x1  }
0x38: {  	s25 =	sadd.s32 s13, s25  }
0x39: {  	s25 =	sshrl.u32 s25, $0x3  }
0x3a: {  	s26 =	sadd.s32 s7, s25  }
0x3b: {  	[tilespmem:s23], [sflag:$0x2] =	stream.linear.gather [hbm4b:s26+s23], $0x50, $0x38;
	[tilespmem:$0x1A980] =	vst v63  }
0x3c: {  	_ =	swait.ge [sflag:s17], $0x50  }
0x3d: {  	[sflag:s17] =	ssyncset.done $0x0  }
0x3e: {  	s31 =	sadd.s32 s6, s25;
	[sflag:s17] =	ssyncadd.s32 $0xFFFFFFB0  }
0x3f: {  	[tilespmem:s18], [sflag:$0x2] =	stream.linear.gather [hbm4b:s31+s23], $0x50, $0x38;
	[tilespmem:$0x1A980] =	vst v63  }
0x40: {  	_ =	swait.ge [sflag:s17], $0x50  }
0x41: {  	[sflag:s17] =	ssyncset.done $0x0  }
0x42: {  	s25 =	sadd.s32 s2, s25;
	[sflag:s17] =	ssyncadd.s32 $0xFFFFFFB0  }
0x43: {  	[tilespmem:s19], [sflag:$0x2] =	stream.linear.gather [hbm4b:s25+s23], $0x50, $0x38;
	[tilespmem:$0x1A980] =	vst v63  }
0x44: {  	_ =	swait.ge [sflag:s17], $0x50  }
0x45: {  	[sflag:s17] =	ssyncset.done $0x0  }
0x46: {  	[sflag:s17] =	ssyncadd.s32 $0xFFFFFFB0  }
0x47: {  	[tilespmem:s21], [sflag:$0x1] =	stream.indirect.gather [hbm4b:s1+s20], $0x80, s23, s20, $0xb8;
	[tilespmem:$0x1A980] =	vst v63  }
0x48: {  	_ =	swait.ge [sflag:s22], $0x2800  }
0x49: {  	[sflag:s22] =	ssyncset.done $0x0  }
0x4a: {  	s25 =	simm.s32 $0x0;
	[sflag:s22] =	ssyncadd.s32 $0xFFFFD800  }
.LBB2_5:
0x4b: {  	s26 =	sshll.u32 s25, $0x4  }
0x4c: {  	s26 =	sand.u32 $0x3FFFFFF0, s26  }
0x4d: {  	s31 =	sshll.u32 s25, $0xB;
	v17 =	vld [tilespmem:s26+$0x100]  }
0x4e: {  	s26 =	sand.u32 $0x3FFFF800, s31  }
0x4f: {  	v18 =	vld [tilespmem:s26+$0x180]  }
0x50: {  	v19 =	vld [tilespmem:s26+$0x190]  }
0x51: {  	v20 =	vld [tilespmem:s26+$0x1A0]  }
0x52: {  	v22 =	vld [tilespmem:s26+$0x1B0];
	v21 =	vperm.xlane v17, v1  }
0x53: {  	v23 =	vld [tilespmem:s26+$0x1C0]  }
0x54: {  	v24 =	vld [tilespmem:s26+$0x1D0];
	v18 =	vmul.f32 v18, v21  }
0x55: {  	v25 =	vld [tilespmem:s26+$0x1E0];
	v19 =	vmul.f32 v19, v21  }
0x56: {  	v38 =	vld [tilespmem:s26+$0x1F0];
	[tilespmem:s26+$0x180] =	vst v18;
	v18 =	vmul.f32 v20, v21  }
0x57: {  	v39 =	vld [tilespmem:s26+$0x200];
	[tilespmem:s26+$0x190] =	vst v19;
	v19 =	vmul.f32 v22, v21  }
0x58: {  	v40 =	vld [tilespmem:s26+$0x210];
	[tilespmem:s26+$0x1A0] =	vst v18;
	v18 =	vmul.f32 v23, v21  }
0x59: {  	v41 =	vld [tilespmem:s26+$0x220];
	[tilespmem:s26+$0x1B0] =	vst v19;
	v19 =	vmul.f32 v24, v21  }
0x5a: {  	v26 =	vld [tilespmem:s26+$0x230];
	v42 =	vperm.xlane v17, v2;
	[tilespmem:s26+$0x1C0] =	vst v18;
	v18 =	vmul.f32 v25, v21  }
0x5b: {  	v43 =	vld [tilespmem:s26+$0x240];
	[tilespmem:s26+$0x1D0] =	vst v19;
	v19 =	vmul.f32 v38, v21  }
0x5c: {  	v44 =	vld [tilespmem:s26+$0x250];
	[tilespmem:s26+$0x1E0] =	vst v18;
	v18 =	vmul.f32 v39, v42  }
0x5d: {  	v45 =	vld [tilespmem:s26+$0x260];
	[tilespmem:s26+$0x1F0] =	vst v19;
	v19 =	vmul.f32 v40, v42  }
0x5e: {  	v46 =	vld [tilespmem:s26+$0x270];
	[tilespmem:s26+$0x200] =	vst v18;
	v18 =	vmul.f32 v41, v42  }
0x5f: {  	v47 =	vld [tilespmem:s26+$0x280];
	[tilespmem:s26+$0x210] =	vst v19;
	v19 =	vmul.f32 v26, v42  }
0x60: {  	v48 =	vld [tilespmem:s26+$0x290];
	[tilespmem:s26+$0x220] =	vst v18;
	v18 =	vmul.f32 v43, v42  }
0x61: {  	v49 =	vld [tilespmem:s26+$0x2A0];
	[tilespmem:s26+$0x230] =	vst v19;
	v19 =	vmul.f32 v44, v42  }
0x62: {  	v51 =	vld [tilespmem:s26+$0x2B0];
	v50 =	vperm.xlane v17, v3;
	[tilespmem:s26+$0x240] =	vst v18;
	v18 =	vmul.f32 v45, v42  }
0x63: {  	v52 =	vld [tilespmem:s26+$0x2C0];
	[tilespmem:s26+$0x250] =	vst v19;
	v19 =	vmul.f32 v46, v42  }
0x64: {  	v53 =	vld [tilespmem:s26+$0x2D0];
	[tilespmem:s26+$0x260] =	vst v18;
	v18 =	vmul.f32 v47, v50  }
0x65: {  	v54 =	vld [tilespmem:s26+$0x2E0];
	[tilespmem:s26+$0x270] =	vst v19;
	v19 =	vmul.f32 v48, v50  }
0x66: {  	v55 =	vld [tilespmem:s26+$0x2F0];
	[tilespmem:s26+$0x280] =	vst v18;
	v18 =	vmul.f32 v49, v50  }
0x67: {  	v56 =	vld [tilespmem:s26+$0x300];
	[tilespmem:s26+$0x290] =	vst v19;
	v19 =	vmul.f32 v51, v50  }
0x68: {  	v57 =	vld [tilespmem:s26+$0x310];
	[tilespmem:s26+$0x2A0] =	vst v18;
	v18 =	vmul.f32 v52, v50  }
0x69: {  	v58 =	vld [tilespmem:s26+$0x320];
	[tilespmem:s26+$0x2B0] =	vst v19;
	v19 =	vmul.f32 v53, v50  }
0x6a: {  	v60 =	vld [tilespmem:s26+$0x330];
	v59 =	vperm.xlane v17, v4;
	[tilespmem:s26+$0x2C0] =	vst v18;
	v18 =	vmul.f32 v54, v50  }
0x6b: {  	v61 =	vld [tilespmem:s26+$0x340];
	[tilespmem:s26+$0x2D0] =	vst v19;
	v19 =	vmul.f32 v55, v50  }
0x6c: {  	v62 =	vld [tilespmem:s26+$0x350];
	[tilespmem:s26+$0x2E0] =	vst v18;
	v18 =	vmul.f32 v56, v59  }
0x6d: {  	v63 =	vld [tilespmem:s26+$0x360];
	[tilespmem:s26+$0x2F0] =	vst v19;
	v19 =	vmul.f32 v57, v59  }
0x6e: {  	v28 =	vld [tilespmem:s26+$0x370];
	[tilespmem:s26+$0x300] =	vst v18;
	v18 =	vmul.f32 v58, v59  }
0x6f: {  	v29 =	vld [tilespmem:s26+$0x380];
	[tilespmem:s26+$0x310] =	vst v19;
	v19 =	vmul.f32 v60, v59  }
0x70: {  	v30 =	vld [tilespmem:s26+$0x390];
	[tilespmem:s26+$0x320] =	vst v18;
	v18 =	vmul.f32 v61, v59  }
0x71: {  	v31 =	vld [tilespmem:s26+$0x3A0];
	[tilespmem:s26+$0x330] =	vst v19;
	v19 =	vmul.f32 v62, v59  }
0x72: {  	v33 =	vld [tilespmem:s26+$0x3B0];
	v32 =	vperm.xlane v17, v5;
	[tilespmem:s26+$0x340] =	vst v18;
	v18 =	vmul.f32 v63, v59  }
0x73: {  	v34 =	vld [tilespmem:s26+$0x3C0];
	[tilespmem:s26+$0x350] =	vst v19;
	v19 =	vmul.f32 v28, v59  }
0x74: {  	v35 =	vld [tilespmem:s26+$0x3D0];
	[tilespmem:s26+$0x360] =	vst v18;
	v18 =	vmul.f32 v29, v32  }
0x75: {  	v36 =	vld [tilespmem:s26+$0x3E0];
	[tilespmem:s26+$0x370] =	vst v19;
	v19 =	vmul.f32 v30, v32  }
0x76: {  	v37 =	vld [tilespmem:s26+$0x3F0];
	[tilespmem:s26+$0x380] =	vst v18;
	v18 =	vmul.f32 v31, v32  }
0x77: {  	v38 =	vld [tilespmem:s26+$0x400];
	[tilespmem:s26+$0x390] =	vst v19;
	v19 =	vmul.f32 v33, v32  }
0x78: {  	v39 =	vld [tilespmem:s26+$0x410];
	[tilespmem:s26+$0x3A0] =	vst v18;
	v18 =	vmul.f32 v34, v32  }
0x79: {  	v40 =	vld [tilespmem:s26+$0x420];
	[tilespmem:s26+$0x3B0] =	vst v19;
	v19 =	vmul.f32 v35, v32  }
0x7a: {  	v41 =	vperm.xlane v17, v6;
	v42 =	vld [tilespmem:s26+$0x430];
	[tilespmem:s26+$0x3C0] =	vst v18;
	v18 =	vmul.f32 v36, v32  }
0x7b: {  	v43 =	vld [tilespmem:s26+$0x440];
	[tilespmem:s26+$0x3D0] =	vst v19;
	v19 =	vmul.f32 v37, v32  }
0x7c: {  	v44 =	vld [tilespmem:s26+$0x450];
	[tilespmem:s26+$0x3E0] =	vst v18;
	v18 =	vmul.f32 v38, v41  }
0x7d: {  	v45 =	vld [tilespmem:s26+$0x460];
	[tilespmem:s26+$0x3F0] =	vst v19;
	v19 =	vmul.f32 v39, v41  }
0x7e: {  	v46 =	vld [tilespmem:s26+$0x470];
	[tilespmem:s26+$0x400] =	vst v18;
	v18 =	vmul.f32 v40, v41  }
0x7f: {  	v47 =	vld [tilespmem:s26+$0x480];
	[tilespmem:s26+$0x410] =	vst v19;
	v19 =	vmul.f32 v42, v41  }
0x80: {  	v48 =	vld [tilespmem:s26+$0x490];
	[tilespmem:s26+$0x420] =	vst v18;
	v18 =	vmul.f32 v43, v41  }
0x81: {  	v49 =	vld [tilespmem:s26+$0x4A0];
	[tilespmem:s26+$0x430] =	vst v19;
	v19 =	vmul.f32 v44, v41  }
0x82: {  	v51 =	vld [tilespmem:s26+$0x4B0];
	v50 =	vperm.xlane v17, v7;
	[tilespmem:s26+$0x440] =	vst v18;
	v18 =	vmul.f32 v45, v41  }
0x83: {  	v52 =	vld [tilespmem:s26+$0x4C0];
	[tilespmem:s26+$0x450] =	vst v19;
	v19 =	vmul.f32 v46, v41  }
0x84: {  	v53 =	vld [tilespmem:s26+$0x4D0];
	[tilespmem:s26+$0x460] =	vst v18;
	v18 =	vmul.f32 v47, v50  }
0x85: {  	v54 =	vld [tilespmem:s26+$0x4E0];
	[tilespmem:s26+$0x470] =	vst v19;
	v19 =	vmul.f32 v48, v50  }
0x86: {  	v55 =	vld [tilespmem:s26+$0x4F0];
	[tilespmem:s26+$0x480] =	vst v18;
	v18 =	vmul.f32 v49, v50  }
0x87: {  	v56 =	vld [tilespmem:s26+$0x500];
	[tilespmem:s26+$0x490] =	vst v19;
	v19 =	vmul.f32 v51, v50  }
0x88: {  	v57 =	vld [tilespmem:s26+$0x510];
	[tilespmem:s26+$0x4A0] =	vst v18;
	v18 =	vmul.f32 v52, v50  }
0x89: {  	v58 =	vld [tilespmem:s26+$0x520];
	[tilespmem:s26+$0x4B0] =	vst v19;
	v19 =	vmul.f32 v53, v50  }
0x8a: {  	v60 =	vld [tilespmem:s26+$0x530];
	v59 =	vperm.xlane v17, v8;
	[tilespmem:s26+$0x4C0] =	vst v18;
	v18 =	vmul.f32 v54, v50  }
0x8b: {  	v61 =	vld [tilespmem:s26+$0x540];
	[tilespmem:s26+$0x4D0] =	vst v19;
	v19 =	vmul.f32 v55, v50  }
0x8c: {  	v62 =	vld [tilespmem:s26+$0x550];
	[tilespmem:s26+$0x4E0] =	vst v18;
	v18 =	vmul.f32 v56, v59  }
0x8d: {  	v63 =	vld [tilespmem:s26+$0x560];
	[tilespmem:s26+$0x4F0] =	vst v19;
	v19 =	vmul.f32 v57, v59  }
0x8e: {  	v28 =	vld [tilespmem:s26+$0x570];
	[tilespmem:s26+$0x500] =	vst v18;
	v18 =	vmul.f32 v58, v59  }
0x8f: {  	v29 =	vld [tilespmem:s26+$0x580];
	[tilespmem:s26+$0x510] =	vst v19;
	v19 =	vmul.f32 v60, v59  }
0x90: {  	v30 =	vld [tilespmem:s26+$0x590];
	[tilespmem:s26+$0x520] =	vst v18;
	v18 =	vmul.f32 v61, v59  }
0x91: {  	v31 =	vld [tilespmem:s26+$0x5A0];
	[tilespmem:s26+$0x530] =	vst v19;
	v19 =	vmul.f32 v62, v59  }
0x92: {  	v33 =	vld [tilespmem:s26+$0x5B0];
	v32 =	vperm.xlane v17, v9;
	[tilespmem:s26+$0x540] =	vst v18;
	v18 =	vmul.f32 v63, v59  }
0x93: {  	v34 =	vld [tilespmem:s26+$0x5C0];
	[tilespmem:s26+$0x550] =	vst v19;
	v19 =	vmul.f32 v28, v59  }
0x94: {  	v35 =	vld [tilespmem:s26+$0x5D0];
	[tilespmem:s26+$0x560] =	vst v18;
	v18 =	vmul.f32 v29, v32  }
0x95: {  	v36 =	vld [tilespmem:s26+$0x5E0];
	[tilespmem:s26+$0x570] =	vst v19;
	v19 =	vmul.f32 v30, v32  }
0x96: {  	v37 =	vld [tilespmem:s26+$0x5F0];
	[tilespmem:s26+$0x580] =	vst v18;
	v18 =	vmul.f32 v31, v32  }
0x97: {  	v38 =	vld [tilespmem:s26+$0x600];
	[tilespmem:s26+$0x590] =	vst v19;
	v19 =	vmul.f32 v33, v32  }
0x98: {  	v39 =	vld [tilespmem:s26+$0x610];
	[tilespmem:s26+$0x5A0] =	vst v18;
	v18 =	vmul.f32 v34, v32  }
0x99: {  	v40 =	vld [tilespmem:s26+$0x620];
	[tilespmem:s26+$0x5B0] =	vst v19;
	v19 =	vmul.f32 v35, v32  }
0x9a: {  	v42 =	vld [tilespmem:s26+$0x630];
	v41 =	vperm.xlane v17, v10;
	[tilespmem:s26+$0x5C0] =	vst v18;
	v18 =	vmul.f32 v36, v32  }
0x9b: {  	v43 =	vld [tilespmem:s26+$0x640];
	[tilespmem:s26+$0x5D0] =	vst v19;
	v19 =	vmul.f32 v37, v32  }
0x9c: {  	v44 =	vld [tilespmem:s26+$0x650];
	[tilespmem:s26+$0x5E0] =	vst v18;
	v18 =	vmul.f32 v38, v41  }
0x9d: {  	v45 =	vld [tilespmem:s26+$0x660];
	[tilespmem:s26+$0x5F0] =	vst v19;
	v19 =	vmul.f32 v39, v41  }
0x9e: {  	v46 =	vld [tilespmem:s26+$0x670];
	[tilespmem:s26+$0x600] =	vst v18;
	v18 =	vmul.f32 v40, v41  }
0x9f: {  	v47 =	vld [tilespmem:s26+$0x680];
	[tilespmem:s26+$0x610] =	vst v19;
	v19 =	vmul.f32 v42, v41  }
0xa0: {  	v48 =	vld [tilespmem:s26+$0x690];
	[tilespmem:s26+$0x620] =	vst v18;
	v18 =	vmul.f32 v43, v41  }
0xa1: {  	v49 =	vld [tilespmem:s26+$0x6A0];
	[tilespmem:s26+$0x630] =	vst v19;
	v19 =	vmul.f32 v44, v41  }
0xa2: {  	v51 =	vld [tilespmem:s26+$0x6B0];
	v50 =	vperm.xlane v17, v11;
	[tilespmem:s26+$0x640] =	vst v18;
	v18 =	vmul.f32 v45, v41  }
0xa3: {  	v52 =	vld [tilespmem:s26+$0x6C0];
	[tilespmem:s26+$0x650] =	vst v19;
	v19 =	vmul.f32 v46, v41  }
0xa4: {  	v53 =	vld [tilespmem:s26+$0x6D0];
	[tilespmem:s26+$0x660] =	vst v18;
	v18 =	vmul.f32 v47, v50  }
0xa5: {  	v54 =	vld [tilespmem:s26+$0x6E0];
	[tilespmem:s26+$0x670] =	vst v19;
	v19 =	vmul.f32 v48, v50  }
0xa6: {  	v55 =	vld [tilespmem:s26+$0x6F0];
	[tilespmem:s26+$0x680] =	vst v18;
	v18 =	vmul.f32 v49, v50  }
0xa7: {  	v56 =	vld [tilespmem:s26+$0x700];
	[tilespmem:s26+$0x690] =	vst v19;
	v19 =	vmul.f32 v51, v50  }
0xa8: {  	v57 =	vld [tilespmem:s26+$0x710];
	[tilespmem:s26+$0x6A0] =	vst v18;
	v18 =	vmul.f32 v52, v50  }
0xa9: {  	v58 =	vld [tilespmem:s26+$0x720];
	[tilespmem:s26+$0x6B0] =	vst v19;
	v19 =	vmul.f32 v53, v50  }
0xaa: {  	v60 =	vld [tilespmem:s26+$0x730];
	v59 =	vperm.xlane v17, v12;
	[tilespmem:s26+$0x6C0] =	vst v18;
	v18 =	vmul.f32 v54, v50  }
0xab: {  	v61 =	vld [tilespmem:s26+$0x740];
	[tilespmem:s26+$0x6D0] =	vst v19;
	v19 =	vmul.f32 v55, v50  }
0xac: {  	v62 =	vld [tilespmem:s26+$0x750];
	[tilespmem:s26+$0x6E0] =	vst v18;
	v18 =	vmul.f32 v56, v59  }
0xad: {  	v63 =	vld [tilespmem:s26+$0x760];
	[tilespmem:s26+$0x6F0] =	vst v19;
	v19 =	vmul.f32 v57, v59  }
0xae: {  	v28 =	vld [tilespmem:s26+$0x770];
	[tilespmem:s26+$0x700] =	vst v18;
	v18 =	vmul.f32 v58, v59  }
0xaf: {  	v29 =	vld [tilespmem:s26+$0x780];
	[tilespmem:s26+$0x710] =	vst v19;
	v19 =	vmul.f32 v60, v59  }
0xb0: {  	v30 =	vld [tilespmem:s26+$0x790];
	[tilespmem:s26+$0x720] =	vst v18;
	v18 =	vmul.f32 v61, v59  }
0xb1: {  	v31 =	vld [tilespmem:s26+$0x7A0];
	[tilespmem:s26+$0x730] =	vst v19;
	v19 =	vmul.f32 v62, v59  }
0xb2: {  	v33 =	vld [tilespmem:s26+$0x7B0];
	v32 =	vperm.xlane v17, v13;
	[tilespmem:s26+$0x740] =	vst v18;
	v18 =	vmul.f32 v63, v59  }
0xb3: {  	v34 =	vld [tilespmem:s26+$0x7C0];
	[tilespmem:s26+$0x750] =	vst v19;
	v19 =	vmul.f32 v28, v59  }
0xb4: {  	v35 =	vld [tilespmem:s26+$0x7D0];
	[tilespmem:s26+$0x760] =	vst v18;
	v18 =	vmul.f32 v29, v32  }
0xb5: {  	v36 =	vld [tilespmem:s26+$0x7E0];
	[tilespmem:s26+$0x770] =	vst v19;
	v19 =	vmul.f32 v30, v32  }
0xb6: {  	v37 =	vld [tilespmem:s26+$0x7F0];
	[tilespmem:s26+$0x780] =	vst v18;
	v18 =	vmul.f32 v31, v32  }
0xb7: {  	v38 =	vld [tilespmem:s26+$0x800];
	[tilespmem:s26+$0x790] =	vst v19;
	v19 =	vmul.f32 v33, v32  }
0xb8: {  	v39 =	vld [tilespmem:s26+$0x810];
	[tilespmem:s26+$0x7A0] =	vst v18;
	v18 =	vmul.f32 v34, v32  }
0xb9: {  	v40 =	vld [tilespmem:s26+$0x820];
	[tilespmem:s26+$0x7B0] =	vst v19;
	v19 =	vmul.f32 v35, v32  }
0xba: {  	v42 =	vld [tilespmem:s26+$0x830];
	v41 =	vperm.xlane v17, v14;
	[tilespmem:s26+$0x7C0] =	vst v18;
	v18 =	vmul.f32 v36, v32  }
0xbb: {  	v43 =	vld [tilespmem:s26+$0x840];
	[tilespmem:s26+$0x7D0] =	vst v19;
	v19 =	vmul.f32 v37, v32  }
0xbc: {  	v44 =	vld [tilespmem:s26+$0x850];
	[tilespmem:s26+$0x7E0] =	vst v18;
	v18 =	vmul.f32 v38, v41  }
0xbd: {  	v45 =	vld [tilespmem:s26+$0x860];
	[tilespmem:s26+$0x7F0] =	vst v19;
	v19 =	vmul.f32 v39, v41  }
0xbe: {  	v46 =	vld [tilespmem:s26+$0x870];
	[tilespmem:s26+$0x800] =	vst v18;
	v18 =	vmul.f32 v40, v41  }
0xbf: {  	v47 =	vld [tilespmem:s26+$0x880];
	[tilespmem:s26+$0x810] =	vst v19;
	v19 =	vmul.f32 v42, v41  }
0xc0: {  	v48 =	vld [tilespmem:s26+$0x890];
	[tilespmem:s26+$0x820] =	vst v18;
	v18 =	vmul.f32 v43, v41  }
0xc1: {  	v49 =	vld [tilespmem:s26+$0x8A0];
	[tilespmem:s26+$0x830] =	vst v19;
	v19 =	vmul.f32 v44, v41  }
0xc2: {  	v51 =	vld [tilespmem:s26+$0x8B0];
	v50 =	vperm.xlane v17, v15;
	[tilespmem:s26+$0x840] =	vst v18;
	v18 =	vmul.f32 v45, v41  }
0xc3: {  	v52 =	vld [tilespmem:s26+$0x8C0];
	[tilespmem:s26+$0x850] =	vst v19;
	v19 =	vmul.f32 v46, v41  }
0xc4: {  	v53 =	vld [tilespmem:s26+$0x8D0];
	[tilespmem:s26+$0x860] =	vst v18;
	v18 =	vmul.f32 v47, v50  }
0xc5: {  	v54 =	vld [tilespmem:s26+$0x8E0];
	[tilespmem:s26+$0x870] =	vst v19;
	v19 =	vmul.f32 v48, v50  }
0xc6: {  	v55 =	vld [tilespmem:s26+$0x8F0];
	[tilespmem:s26+$0x880] =	vst v18;
	v18 =	vmul.f32 v49, v50  }
0xc7: {  	v56 =	vld [tilespmem:s26+$0x900];
	[tilespmem:s26+$0x890] =	vst v19;
	v19 =	vmul.f32 v51, v50  }
0xc8: {  	v57 =	vld [tilespmem:s26+$0x910];
	[tilespmem:s26+$0x8A0] =	vst v18;
	v18 =	vmul.f32 v52, v50  }
0xc9: {  	v58 =	vld [tilespmem:s26+$0x920];
	[tilespmem:s26+$0x8B0] =	vst v19;
	v19 =	vmul.f32 v53, v50  }
0xca: {  	v17 =	vperm.xlane v17, v16;
	v59 =	vld [tilespmem:s26+$0x930];
	[tilespmem:s26+$0x8C0] =	vst v18;
	v18 =	vmul.f32 v54, v50  }
0xcb: {  	v60 =	vld [tilespmem:s26+$0x940];
	[tilespmem:s26+$0x8D0] =	vst v19;
	v19 =	vmul.f32 v55, v50  }
0xcc: {  	v61 =	vld [tilespmem:s26+$0x950];
	[tilespmem:s26+$0x8E0] =	vst v18;
	v18 =	vmul.f32 v56, v17  }
0xcd: {  	v62 =	vld [tilespmem:s26+$0x960];
	[tilespmem:s26+$0x8F0] =	vst v19;
	v19 =	vmul.f32 v57, v17  }
0xce: {  	v63 =	vld [tilespmem:s26+$0x970];
	[tilespmem:s26+$0x900] =	vst v18;
	v18 =	vmul.f32 v58, v17  }
0xcf: {  	[tilespmem:s26+$0x910] =	vst v19;
	v19 =	vmul.f32 v59, v17  }
0xd0: {  	p0 =	sne.s32 s25, $0x4;
	[tilespmem:s26+$0x920] =	vst v18;
	v18 =	vmul.f32 v60, v17  }
.Ltmp1:
0xd1: {  	[tilespmem:s26+$0x930] =	vst v19;
	v19 =	vmul.f32 v61, v17;
	(pc) =	sbr.rel @p0 .LBB2_5-.Ltmp1, $4  }
0xd2: {  	[tilespmem:s26+$0x940] =	vst v18;
	v18 =	vmul.f32 v62, v17  }
0xd3: {  	[tilespmem:s26+$0x950] =	vst v19;
	v17 =	vmul.f32 v63, v17  }
0xd4: {  	[tilespmem:s26+$0x960] =	vst v18  }
0xd5: {  	s25 =	sadd.s32 $0x1, s25;
	[tilespmem:s26+$0x970] =	vst v17  }
0xd6: {  	s24 =	sadd.s32 $0x1, s24  }
0xd7: {  	p0 =	sne.s32 s24, $0x7D  }
.Ltmp2:
0xd8: {  	_ = 	snop;
	(pc) =	sbr.rel @p0 .LBB2_4-.Ltmp2, $4  }
0xd9: {  	[spmem:s3] =	stream.indirect.scatter.add.f32 [tilespmem:s21], [sflag:$0x2], $0x80, s18, s20, $0xb8;
	[tilespmem:$0x1A980] =	vst v63  }
0xda: {  	_ =	swait.ge [sflag:s17], $0x2800  }
0xdb: {  	[sflag:s17] =	ssyncset.done $0x0  }
0xdc: {  	[sflag:s17] =	ssyncadd.s32 $0xFFFFD800  }
0xdd: {  	s5 =	sadd.s32 $0x1, s5  }
0xde: {  	s23 =	sshll.u32 s4, $0x6;
	[bflag:$0x0] =	sbarrier.arrive $0xFFFF;
	p0 =	sne.s32 s5, s15  }
.Ltmp3:
0xdf: {  	s24 =	sshrl.u32 s8, $0x3;
	s23 =	sor.u32 $0x1C02, s23;
	(pc) =	sbr.rel @p0 .LBB2_1-.Ltmp3, $4  }
0xe0: {  	[hbm:s14], [sflag:s23] =	dma.local [spmem:s24], $0x2800  }
0xe1: {  	_ =	swait.ge [sflag:s17], $0x2800  }
0xe2: {  	[sflag:s17] =	ssyncset.done $0x0  }
0xe3: {  	[sflag:s17] =	ssyncadd.s32 $0xFFFFD800  }
0xe4: {  	_ =	sfence.sel $0x180000  }
0xe5: {  	[bflag:$0x0] =	sbarrier.arrive $0xFFFF  }
0xe6: {  	p0 =	sne.s32 s4, $0x0;
	_ =	strace $0x90000047  }
0xe7: {  	s0 =	sadd.s32 @!p0 $0x100000, s0;
	[bflag:$0x2] =	sbarrier.arrive $0xFFFF  }
0xe8: {  	[sflag:s0] =	ssyncadd.tile.s32 @!p0 $0x1;
	_ =	shalt  }
.Lfunc_end2:
_tile_overlayer_lowered:
.L_overlay_start_2:
0xe9: {  	(tag) =	ssettag $0x2  }
0xea: {  	s0 =	rddreg [dreg:$0x0];
	s2 =	stileid.u32  }
0xeb: {  	s1 =	rddreg [dreg:$0x1];
	p0 =	sne.s32 s2, $0x0  }
0xec: {  	s3 =	rddreg [dreg:$0x2];
	[bflag:$0x3] =	sbarrier.arrive $0xFFFF;
	s2 =	simm.s32 @!p0 $0x1C02  }
0xed: {  	[timem:s3], [sflag:s2] =	dma.local @!p0 [hbm:s0], s1  }
0xee: {  	s0 =	simm.s32 @!p0 $0x2  }
0xef: {  	_ =	swait.ge @!p0 [sflag:s0], s1  }
0xf0: {  	s1 =	ssub.s32 @!p0 $0x0, s1;
	[sflag:s0] =	ssyncset.done @!p0 $0x0  }
0xf1: {  	[sflag:s0] =	ssyncadd.s32 @!p0 s1  }
0xf2: {  	[bflag:$0x3] =	sbarrier.arrive $0xFFFF  }
0xf3: {  	_ =	shalt  }

</sc_bundles>
